<compile_context>
chip_gen: v7x
topology: tpu7x:2x2x1
jax: 0.10.2.dev20260603
libtpu: 0.0.44.dev20260713+nightly
codegen_flags: <defaults>
</compile_context>

<pallas_src>
import functools

import jax
import jax.numpy as jnp
from jax import lax
from jax.experimental import pallas as pl
from jax.experimental.pallas import tpu as pltpu
from jax.experimental.pallas import tpu_sc as plsc

VOCAB = 1000000
SEQ = 200
EMBED = 64
BATCH = 4096

NC = 2
NS = 16
NW = NC * NS
SEQS_PER_W = BATCH // NW
ROWS_PER_W = SEQS_PER_W * SEQ
LANES = 16
VPR = EMBED // LANES

_mesh = plsc.VectorSubcoreMesh(core_axis_name="c", subcore_axis_name="s")


@functools.partial(
    pl.kernel,
    out_type=jax.ShapeDtypeStruct((BATCH * SEQ, EMBED), jnp.float32),
    mesh=_mesh,
    compiler_params=pltpu.CompilerParams(use_tc_tiling_on_sc=False),
    scratch_types=[
        pltpu.VMEM((ROWS_PER_W,), jnp.int32),
        pltpu.VMEM((2 * SEQ, EMBED), jnp.float32),
        pltpu.VMEM((4 * SEQ, EMBED), jnp.float32),
        pltpu.SemaphoreType.DMA,
    ],
)
def _seq_embed(seq_hbm, tok_hbm, pos_hbm, out_hbm, idx_v, pos_v, buf, sem):
    wid = lax.axis_index("s") * NC + lax.axis_index("c")
    base = wid * ROWS_PER_W

    pltpu.sync_copy(seq_hbm.at[pl.ds(base, ROWS_PER_W)], idx_v)
    pltpu.sync_copy(pos_hbm, pos_v.at[pl.ds(0, SEQ)])
    pltpu.sync_copy(pos_hbm, pos_v.at[pl.ds(SEQ, SEQ)])

    def chunk(c, carry):
        row0 = c * 4 * SEQ
        waits = []
        for o in range(0, 4 * SEQ, 128):
            n = min(128, 4 * SEQ - o)
            waits.append(pltpu.async_copy(
                tok_hbm.at[idx_v.at[pl.ds(row0 + o, n)]],
                buf.at[pl.ds(o, n)], sem))
        for w in waits:
            w.wait()

        def add_row(j, carry2):
            for h in range(2):
                for k in range(VPR):
                    plsc.addupdate(
                        buf.at[h * 2 * SEQ + j, pl.ds(k * LANES, LANES)],
                        pos_v[j, pl.ds(k * LANES, LANES)])
            return carry2

        lax.fori_loop(0, 2 * SEQ, add_row, 0, unroll=2)

        pltpu.sync_copy(buf, out_hbm.at[pl.ds(base + row0, 4 * SEQ)])
        return carry

    lax.fori_loop(0, SEQS_PER_W // 4, chunk, 0)


def kernel(sequence, token_table, pos_table):
    seq_flat = sequence.reshape(-1).astype(jnp.int32)
    out = _seq_embed(seq_flat, token_table, pos_table)
    return out.reshape(BATCH, SEQ, EMBED)

# --- scband reference (transcript-rebuilt; emitter-appended) ---
"""Pipeline reference for scband-sequence-embedding-283467842473 (READ-ONLY COPY).

The authoritative reference and input builder live on the scoring server;
editing this copy changes nothing except your own understanding.
"""

import jax, jax.numpy as jnp
import numpy as np

VOCAB = 1000000
MAX_SEQ = 200
EMBED = 64
BATCH = 4096
SEQ = 200

def setup_inputs(seed: int = 0) -> dict:
    key = jax.random.key(seed)
    k1, k2, k3 = jax.random.split(key, 3)
    sequence = jax.random.randint(k1, (BATCH, SEQ), 0, VOCAB, dtype=jnp.int64 if jax.config.jax_enable_x64 else jnp.int32)
    token_table = jax.random.normal(k2, (VOCAB, EMBED), dtype=jnp.float32)
    pos_table = jax.random.normal(k3, (MAX_SEQ, EMBED), dtype=jnp.float32)
    return {"sequence": sequence, "token_table": token_table, "pos_table": pos_table}

def reference(sequence, token_table, pos_table):
    batch_size, seq_len = sequence.shape
    token_embed = jnp.take(token_table, sequence, axis=0)
    position = jnp.arange(seq_len)
    pos_embed = jnp.take(pos_table, position, axis=0)[None, :, :]
    return token_embed + pos_embed

if __name__ == "__main__":
    import jax
    _d = setup_inputs()
    print(jax.jit(kernel)(*tuple(_d.values())))

</pallas_src>

<mosaic_0001>
#map = affine_map<(d0, d1) -> (0)>
#map1 = affine_map<(d0, d1) -> (0, 0)>
module attributes {stable_mosaic.version = 14 : i64} {
  func.func @_seq_embed(%arg0: i32, %arg1: i32, %arg2: memref<819200xi32, #tpu.memory_space<hbm>>, %arg3: memref<1000000x64xf32, #tpu.memory_space<hbm>>, %arg4: memref<200x64xf32, #tpu.memory_space<hbm>>, %arg5: memref<819200x64xf32, #tpu.memory_space<hbm>>, %arg6: memref<25600xi32, #tpu.memory_space<vmem>>, %arg7: memref<400x64xf32, #tpu.memory_space<vmem>>, %arg8: memref<800x64xf32, #tpu.memory_space<vmem>>, %arg9: memref<!tpu.dma_semaphore, #tpu.memory_space<semaphore_mem>>) attributes {dimension_semantics = [#tpu.dimension_semantics<core_parallel>, #tpu.dimension_semantics<subcore_parallel>], iteration_bounds = array<i64: 2, 16>, scalar_prefetch = 0 : i64, scratch_operands = 4 : i64, tpu.core_type = #tpu.core_type<sc_vector_subcore>, window_params = [{transform_indices = #map}, {transform_indices = #map1}, {transform_indices = #map1}, {transform_indices = #map1}]} {
    %mul3A = arith.constant 2 : i32
    %mul3A_0 = arith.muli %arg1, %mul3A : i32
    %add3A = arith.addi %mul3A_0, %arg0 : i32
    %mul3A_1 = arith.constant 25600 : i32
    %mul3A_2 = arith.muli %add3A, %mul3A_1 : i32
    "tpu.region"() ({
      %run_scoped3A = tpu.sem_alloc : memref<!tpu.dma_semaphore, #tpu.memory_space<semaphore_mem>>
      %dma_start3A = tpu.memref_slice %arg2[%mul3A_2] : memref<819200xi32, #tpu.memory_space<hbm>> -> memref<25600xi32, #tpu.memory_space<hbm>>
      %dma_start3A_8 = tpu.memref_slice %arg2[%mul3A_2] : memref<819200xi32, #tpu.memory_space<hbm>> -> memref<25600xi32, #tpu.memory_space<hbm>>
      tpu.enqueue_dma source(%dma_start3A_8 : memref<25600xi32, #tpu.memory_space<hbm>>) target(%arg6 : memref<25600xi32, #tpu.memory_space<vmem>>) target_semaphore(%run_scoped3A : memref<!tpu.dma_semaphore, #tpu.memory_space<semaphore_mem>>)
      %dma_wait3A = tpu.memref_slice %arg2[%mul3A_2] : memref<819200xi32, #tpu.memory_space<hbm>> -> memref<25600xi32, #tpu.memory_space<hbm>>
      %dma_wait3A_9 = tpu.memref_slice %arg2[%mul3A_2] : memref<819200xi32, #tpu.memory_space<hbm>> -> memref<25600xi32, #tpu.memory_space<hbm>>
      tpu.wait_dma2 semaphore(%run_scoped3A : memref<!tpu.dma_semaphore, #tpu.memory_space<semaphore_mem>>) src(%dma_wait3A_9 : memref<25600xi32, #tpu.memory_space<hbm>>) dst(%arg6 : memref<25600xi32, #tpu.memory_space<vmem>>)
      tpu.yield
    }) : () -> ()
    "tpu.region"() ({
      %run_scoped3A = tpu.sem_alloc : memref<!tpu.dma_semaphore, #tpu.memory_space<semaphore_mem>>
      %dma_start3A = arith.constant 0 : i32
      %dma_start3A_8 = arith.constant 0 : i32
      %dma_start3A_9 = tpu.memref_slice %arg7[%dma_start3A, %dma_start3A_8] : memref<400x64xf32, #tpu.memory_space<vmem>> -> memref<200x64xf32, #tpu.memory_space<vmem>>
      %dma_start3A_10 = arith.constant 0 : i32
      %dma_start3A_11 = arith.constant 0 : i32
      %dma_start3A_12 = tpu.memref_slice %arg7[%dma_start3A_10, %dma_start3A_11] : memref<400x64xf32, #tpu.memory_space<vmem>> -> memref<200x64xf32, #tpu.memory_space<vmem>>
      tpu.enqueue_dma source(%arg4 : memref<200x64xf32, #tpu.memory_space<hbm>>) target(%dma_start3A_12 : memref<200x64xf32, #tpu.memory_space<vmem>>) target_semaphore(%run_scoped3A : memref<!tpu.dma_semaphore, #tpu.memory_space<semaphore_mem>>)
      %dma_wait3A = arith.constant 0 : i32
      %dma_wait3A_13 = arith.constant 0 : i32
      %dma_wait3A_14 = tpu.memref_slice %arg7[%dma_wait3A, %dma_wait3A_13] : memref<400x64xf32, #tpu.memory_space<vmem>> -> memref<200x64xf32, #tpu.memory_space<vmem>>
      %dma_wait3A_15 = arith.constant 0 : i32
      %dma_wait3A_16 = arith.constant 0 : i32
      %dma_wait3A_17 = tpu.memref_slice %arg7[%dma_wait3A_15, %dma_wait3A_16] : memref<400x64xf32, #tpu.memory_space<vmem>> -> memref<200x64xf32, #tpu.memory_space<vmem>>
      tpu.wait_dma2 semaphore(%run_scoped3A : memref<!tpu.dma_semaphore, #tpu.memory_space<semaphore_mem>>) src(%arg4 : memref<200x64xf32, #tpu.memory_space<hbm>>) dst(%dma_wait3A_17 : memref<200x64xf32, #tpu.memory_space<vmem>>)
      tpu.yield
    }) : () -> ()
    "tpu.region"() ({
      %run_scoped3A = tpu.sem_alloc : memref<!tpu.dma_semaphore, #tpu.memory_space<semaphore_mem>>
      %dma_start3A = arith.constant 200 : i32
      %dma_start3A_8 = arith.constant 0 : i32
      %dma_start3A_9 = tpu.memref_slice %arg7[%dma_start3A, %dma_start3A_8] : memref<400x64xf32, #tpu.memory_space<vmem>> -> memref<200x64xf32, #tpu.memory_space<vmem>>
      %dma_start3A_10 = arith.constant 200 : i32
      %dma_start3A_11 = arith.constant 0 : i32
      %dma_start3A_12 = tpu.memref_slice %arg7[%dma_start3A_10, %dma_start3A_11] : memref<400x64xf32, #tpu.memory_space<vmem>> -> memref<200x64xf32, #tpu.memory_space<vmem>>
      tpu.enqueue_dma source(%arg4 : memref<200x64xf32, #tpu.memory_space<hbm>>) target(%dma_start3A_12 : memref<200x64xf32, #tpu.memory_space<vmem>>) target_semaphore(%run_scoped3A : memref<!tpu.dma_semaphore, #tpu.memory_space<semaphore_mem>>)
      %dma_wait3A = arith.constant 200 : i32
      %dma_wait3A_13 = arith.constant 0 : i32
      %dma_wait3A_14 = tpu.memref_slice %arg7[%dma_wait3A, %dma_wait3A_13] : memref<400x64xf32, #tpu.memory_space<vmem>> -> memref<200x64xf32, #tpu.memory_space<vmem>>
      %dma_wait3A_15 = arith.constant 200 : i32
      %dma_wait3A_16 = arith.constant 0 : i32
      %dma_wait3A_17 = tpu.memref_slice %arg7[%dma_wait3A_15, %dma_wait3A_16] : memref<400x64xf32, #tpu.memory_space<vmem>> -> memref<200x64xf32, #tpu.memory_space<vmem>>
      tpu.wait_dma2 semaphore(%run_scoped3A : memref<!tpu.dma_semaphore, #tpu.memory_space<semaphore_mem>>) src(%arg4 : memref<200x64xf32, #tpu.memory_space<hbm>>) dst(%dma_wait3A_17 : memref<200x64xf32, #tpu.memory_space<vmem>>)
      tpu.yield
    }) : () -> ()
    %scan3A = arith.constant 0 : i32
    %scan3A_3 = arith.constant 0 : i32
    %scan3A_4 = arith.constant 32 : i32
    %scan3A_5 = arith.addi %scan3A_3, %scan3A_4 : i32
    %scan3A_6 = arith.constant 1 : i32
    scf.for %scan3A_8 = %scan3A_3 to %scan3A_5 step %scan3A_6  : i32 {
      %mul3A_9 = arith.constant 4 : i32
      %mul3A_10 = arith.muli %scan3A_8, %mul3A_9 : i32
      %mul3A_11 = arith.constant 200 : i32
      %mul3A_12 = arith.muli %mul3A_10, %mul3A_11 : i32
      %add3A_13 = arith.constant 0 : i32
      %add3A_14 = arith.addi %mul3A_12, %add3A_13 : i32
      %dma_start3A = arith.constant 0 : i32
      %dma_start3A_15 = arith.constant 0 : i32
      %dma_start3A_16 = tpu.memref_slice %arg8[%dma_start3A, %dma_start3A_15] : memref<800x64xf32, #tpu.memory_space<vmem>> -> memref<128x64xf32, #tpu.memory_space<vmem>>
      %dma_start3A_17 = tpu.memref_slice %arg6[%add3A_14] : memref<25600xi32, #tpu.memory_space<vmem>> -> memref<128xi32, #tpu.memory_space<vmem>>
      %dma_start3A_18 = arith.constant 0 : i32
      %dma_start3A_19 = arith.constant 0 : i32
      %dma_start3A_20 = tpu.memref_slice %arg3[%dma_start3A_18, %dma_start3A_19] : memref<1000000x64xf32, #tpu.memory_space<hbm>> -> memref<1000000x64xf32, #tpu.memory_space<hbm>>
      tpu.enqueue_indirect_dma source(%dma_start3A_20 : memref<1000000x64xf32, #tpu.memory_space<hbm>>) target(%dma_start3A_16 : memref<128x64xf32, #tpu.memory_space<vmem>>) offsets(%dma_start3A_17 : memref<128xi32, #tpu.memory_space<vmem>>) semaphore(%arg9 : memref<!tpu.dma_semaphore, #tpu.memory_space<semaphore_mem>>)
      %add3A_21 = arith.constant 128 : i32
      %add3A_22 = arith.addi %mul3A_12, %add3A_21 : i32
      %dma_start3A_23 = arith.constant 128 : i32
      %dma_start3A_24 = arith.constant 0 : i32
      %dma_start3A_25 = tpu.memref_slice %arg8[%dma_start3A_23, %dma_start3A_24] : memref<800x64xf32, #tpu.memory_space<vmem>> -> memref<128x64xf32, #tpu.memory_space<vmem>>
      %dma_start3A_26 = tpu.memref_slice %arg6[%add3A_22] : memref<25600xi32, #tpu.memory_space<vmem>> -> memref<128xi32, #tpu.memory_space<vmem>>
      %dma_start3A_27 = arith.constant 0 : i32
      %dma_start3A_28 = arith.constant 0 : i32
      %dma_start3A_29 = tpu.memref_slice %arg3[%dma_start3A_27, %dma_start3A_28] : memref<1000000x64xf32, #tpu.memory_space<hbm>> -> memref<1000000x64xf32, #tpu.memory_space<hbm>>
      tpu.enqueue_indirect_dma source(%dma_start3A_29 : memref<1000000x64xf32, #tpu.memory_space<hbm>>) target(%dma_start3A_25 : memref<128x64xf32, #tpu.memory_space<vmem>>) offsets(%dma_start3A_26 : memref<128xi32, #tpu.memory_space<vmem>>) semaphore(%arg9 : memref<!tpu.dma_semaphore, #tpu.memory_space<semaphore_mem>>)
      %add3A_30 = arith.constant 256 : i32
      %add3A_31 = arith.addi %mul3A_12, %add3A_30 : i32
      %dma_start3A_32 = arith.constant 256 : i32
      %dma_start3A_33 = arith.constant 0 : i32
      %dma_start3A_34 = tpu.memref_slice %arg8[%dma_start3A_32, %dma_start3A_33] : memref<800x64xf32, #tpu.memory_space<vmem>> -> memref<128x64xf32, #tpu.memory_space<vmem>>
      %dma_start3A_35 = tpu.memref_slice %arg6[%add3A_31] : memref<25600xi32, #tpu.memory_space<vmem>> -> memref<128xi32, #tpu.memory_space<vmem>>
      %dma_start3A_36 = arith.constant 0 : i32
      %dma_start3A_37 = arith.constant 0 : i32
      %dma_start3A_38 = tpu.memref_slice %arg3[%dma_start3A_36, %dma_start3A_37] : memref<1000000x64xf32, #tpu.memory_space<hbm>> -> memref<1000000x64xf32, #tpu.memory_space<hbm>>
      tpu.enqueue_indirect_dma source(%dma_start3A_38 : memref<1000000x64xf32, #tpu.memory_space<hbm>>) target(%dma_start3A_34 : memref<128x64xf32, #tpu.memory_space<vmem>>) offsets(%dma_start3A_35 : memref<128xi32, #tpu.memory_space<vmem>>) semaphore(%arg9 : memref<!tpu.dma_semaphore, #tpu.memory_space<semaphore_mem>>)
      %add3A_39 = arith.constant 384 : i32
      %add3A_40 = arith.addi %mul3A_12, %add3A_39 : i32
      %dma_start3A_41 = arith.constant 384 : i32
      %dma_start3A_42 = arith.constant 0 : i32
      %dma_start3A_43 = tpu.memref_slice %arg8[%dma_start3A_41, %dma_start3A_42] : memref<800x64xf32, #tpu.memory_space<vmem>> -> memref<128x64xf32, #tpu.memory_space<vmem>>
      %dma_start3A_44 = tpu.memref_slice %arg6[%add3A_40] : memref<25600xi32, #tpu.memory_space<vmem>> -> memref<128xi32, #tpu.memory_space<vmem>>
      %dma_start3A_45 = arith.constant 0 : i32
      %dma_start3A_46 = arith.constant 0 : i32
      %dma_start3A_47 = tpu.memref_slice %arg3[%dma_start3A_45, %dma_start3A_46] : memref<1000000x64xf32, #tpu.memory_space<hbm>> -> memref<1000000x64xf32, #tpu.memory_space<hbm>>
      tpu.enqueue_indirect_dma source(%dma_start3A_47 : memref<1000000x64xf32, #tpu.memory_space<hbm>>) target(%dma_start3A_43 : memref<128x64xf32, #tpu.memory_space<vmem>>) offsets(%dma_start3A_44 : memref<128xi32, #tpu.memory_space<vmem>>) semaphore(%arg9 : memref<!tpu.dma_semaphore, #tpu.memory_space<semaphore_mem>>)
      %add3A_48 = arith.constant 512 : i32
      %add3A_49 = arith.addi %mul3A_12, %add3A_48 : i32
      %dma_start3A_50 = arith.constant 512 : i32
      %dma_start3A_51 = arith.constant 0 : i32
      %dma_start3A_52 = tpu.memref_slice %arg8[%dma_start3A_50, %dma_start3A_51] : memref<800x64xf32, #tpu.memory_space<vmem>> -> memref<128x64xf32, #tpu.memory_space<vmem>>
      %dma_start3A_53 = tpu.memref_slice %arg6[%add3A_49] : memref<25600xi32, #tpu.memory_space<vmem>> -> memref<128xi32, #tpu.memory_space<vmem>>
      %dma_start3A_54 = arith.constant 0 : i32
      %dma_start3A_55 = arith.constant 0 : i32
      %dma_start3A_56 = tpu.memref_slice %arg3[%dma_start3A_54, %dma_start3A_55] : memref<1000000x64xf32, #tpu.memory_space<hbm>> -> memref<1000000x64xf32, #tpu.memory_space<hbm>>
      tpu.enqueue_indirect_dma source(%dma_start3A_56 : memref<1000000x64xf32, #tpu.memory_space<hbm>>) target(%dma_start3A_52 : memref<128x64xf32, #tpu.memory_space<vmem>>) offsets(%dma_start3A_53 : memref<128xi32, #tpu.memory_space<vmem>>) semaphore(%arg9 : memref<!tpu.dma_semaphore, #tpu.memory_space<semaphore_mem>>)
      %add3A_57 = arith.constant 640 : i32
      %add3A_58 = arith.addi %mul3A_12, %add3A_57 : i32
      %dma_start3A_59 = arith.constant 640 : i32
      %dma_start3A_60 = arith.constant 0 : i32
      %dma_start3A_61 = tpu.memref_slice %arg8[%dma_start3A_59, %dma_start3A_60] : memref<800x64xf32, #tpu.memory_space<vmem>> -> memref<128x64xf32, #tpu.memory_space<vmem>>
      %dma_start3A_62 = tpu.memref_slice %arg6[%add3A_58] : memref<25600xi32, #tpu.memory_space<vmem>> -> memref<128xi32, #tpu.memory_space<vmem>>
      %dma_start3A_63 = arith.constant 0 : i32
      %dma_start3A_64 = arith.constant 0 : i32
      %dma_start3A_65 = tpu.memref_slice %arg3[%dma_start3A_63, %dma_start3A_64] : memref<1000000x64xf32, #tpu.memory_space<hbm>> -> memref<1000000x64xf32, #tpu.memory_space<hbm>>
      tpu.enqueue_indirect_dma source(%dma_start3A_65 : memref<1000000x64xf32, #tpu.memory_space<hbm>>) target(%dma_start3A_61 : memref<128x64xf32, #tpu.memory_space<vmem>>) offsets(%dma_start3A_62 : memref<128xi32, #tpu.memory_space<vmem>>) semaphore(%arg9 : memref<!tpu.dma_semaphore, #tpu.memory_space<semaphore_mem>>)
      %add3A_66 = arith.constant 768 : i32
      %add3A_67 = arith.addi %mul3A_12, %add3A_66 : i32
      %dma_start3A_68 = arith.constant 768 : i32
      %dma_start3A_69 = arith.constant 0 : i32
      %dma_start3A_70 = tpu.memref_slice %arg8[%dma_start3A_68, %dma_start3A_69] : memref<800x64xf32, #tpu.memory_space<vmem>> -> memref<32x64xf32, #tpu.memory_space<vmem>>
      %dma_start3A_71 = tpu.memref_slice %arg6[%add3A_67] : memref<25600xi32, #tpu.memory_space<vmem>> -> memref<32xi32, #tpu.memory_space<vmem>>
      %dma_start3A_72 = arith.constant 0 : i32
      %dma_start3A_73 = arith.constant 0 : i32
      %dma_start3A_74 = tpu.memref_slice %arg3[%dma_start3A_72, %dma_start3A_73] : memref<1000000x64xf32, #tpu.memory_space<hbm>> -> memref<1000000x64xf32, #tpu.memory_space<hbm>>
      tpu.enqueue_indirect_dma source(%dma_start3A_74 : memref<1000000x64xf32, #tpu.memory_space<hbm>>) target(%dma_start3A_70 : memref<32x64xf32, #tpu.memory_space<vmem>>) offsets(%dma_start3A_71 : memref<32xi32, #tpu.memory_space<vmem>>) semaphore(%arg9 : memref<!tpu.dma_semaphore, #tpu.memory_space<semaphore_mem>>)
      %dma_wait3A = arith.constant 0 : i32
      %dma_wait3A_75 = arith.constant 0 : i32
      %dma_wait3A_76 = tpu.memref_slice %arg8[%dma_wait3A, %dma_wait3A_75] : memref<800x64xf32, #tpu.memory_space<vmem>> -> memref<128x64xf32, #tpu.memory_space<vmem>>
      %dma_wait3A_77 = tpu.memref_slice %arg6[%add3A_14] : memref<25600xi32, #tpu.memory_space<vmem>> -> memref<128xi32, #tpu.memory_space<vmem>>
      %dma_wait3A_78 = arith.constant 0 : i32
      %dma_wait3A_79 = arith.constant 0 : i32
      %dma_wait3A_80 = tpu.memref_slice %arg3[%dma_wait3A_78, %dma_wait3A_79] : memref<1000000x64xf32, #tpu.memory_space<hbm>> -> memref<1000000x64xf32, #tpu.memory_space<hbm>>
      tpu.wait_indirect_dma semaphore(%arg9 : memref<!tpu.dma_semaphore, #tpu.memory_space<semaphore_mem>>) src(%dma_wait3A_80 : memref<1000000x64xf32, #tpu.memory_space<hbm>>) dst(%dma_wait3A_76 : memref<128x64xf32, #tpu.memory_space<vmem>>)
      %dma_wait3A_81 = arith.constant 128 : i32
      %dma_wait3A_82 = arith.constant 0 : i32
      %dma_wait3A_83 = tpu.memref_slice %arg8[%dma_wait3A_81, %dma_wait3A_82] : memref<800x64xf32, #tpu.memory_space<vmem>> -> memref<128x64xf32, #tpu.memory_space<vmem>>
      %dma_wait3A_84 = tpu.memref_slice %arg6[%add3A_22] : memref<25600xi32, #tpu.memory_space<vmem>> -> memref<128xi32, #tpu.memory_space<vmem>>
      %dma_wait3A_85 = arith.constant 0 : i32
      %dma_wait3A_86 = arith.constant 0 : i32
      %dma_wait3A_87 = tpu.memref_slice %arg3[%dma_wait3A_85, %dma_wait3A_86] : memref<1000000x64xf32, #tpu.memory_space<hbm>> -> memref<1000000x64xf32, #tpu.memory_space<hbm>>
      tpu.wait_indirect_dma semaphore(%arg9 : memref<!tpu.dma_semaphore, #tpu.memory_space<semaphore_mem>>) src(%dma_wait3A_87 : memref<1000000x64xf32, #tpu.memory_space<hbm>>) dst(%dma_wait3A_83 : memref<128x64xf32, #tpu.memory_space<vmem>>)
      %dma_wait3A_88 = arith.constant 256 : i32
      %dma_wait3A_89 = arith.constant 0 : i32
      %dma_wait3A_90 = tpu.memref_slice %arg8[%dma_wait3A_88, %dma_wait3A_89] : memref<800x64xf32, #tpu.memory_space<vmem>> -> memref<128x64xf32, #tpu.memory_space<vmem>>
      %dma_wait3A_91 = tpu.memref_slice %arg6[%add3A_31] : memref<25600xi32, #tpu.memory_space<vmem>> -> memref<128xi32, #tpu.memory_space<vmem>>
      %dma_wait3A_92 = arith.constant 0 : i32
      %dma_wait3A_93 = arith.constant 0 : i32
      %dma_wait3A_94 = tpu.memref_slice %arg3[%dma_wait3A_92, %dma_wait3A_93] : memref<1000000x64xf32, #tpu.memory_space<hbm>> -> memref<1000000x64xf32, #tpu.memory_space<hbm>>
      tpu.wait_indirect_dma semaphore(%arg9 : memref<!tpu.dma_semaphore, #tpu.memory_space<semaphore_mem>>) src(%dma_wait3A_94 : memref<1000000x64xf32, #tpu.memory_space<hbm>>) dst(%dma_wait3A_90 : memref<128x64xf32, #tpu.memory_space<vmem>>)
      %dma_wait3A_95 = arith.constant 384 : i32
      %dma_wait3A_96 = arith.constant 0 : i32
      %dma_wait3A_97 = tpu.memref_slice %arg8[%dma_wait3A_95, %dma_wait3A_96] : memref<800x64xf32, #tpu.memory_space<vmem>> -> memref<128x64xf32, #tpu.memory_space<vmem>>
      %dma_wait3A_98 = tpu.memref_slice %arg6[%add3A_40] : memref<25600xi32, #tpu.memory_space<vmem>> -> memref<128xi32, #tpu.memory_space<vmem>>
      %dma_wait3A_99 = arith.constant 0 : i32
      %dma_wait3A_100 = arith.constant 0 : i32
      %dma_wait3A_101 = tpu.memref_slice %arg3[%dma_wait3A_99, %dma_wait3A_100] : memref<1000000x64xf32, #tpu.memory_space<hbm>> -> memref<1000000x64xf32, #tpu.memory_space<hbm>>
      tpu.wait_indirect_dma semaphore(%arg9 : memref<!tpu.dma_semaphore, #tpu.memory_space<semaphore_mem>>) src(%dma_wait3A_101 : memref<1000000x64xf32, #tpu.memory_space<hbm>>) dst(%dma_wait3A_97 : memref<128x64xf32, #tpu.memory_space<vmem>>)
      %dma_wait3A_102 = arith.constant 512 : i32
      %dma_wait3A_103 = arith.constant 0 : i32
      %dma_wait3A_104 = tpu.memref_slice %arg8[%dma_wait3A_102, %dma_wait3A_103] : memref<800x64xf32, #tpu.memory_space<vmem>> -> memref<128x64xf32, #tpu.memory_space<vmem>>
      %dma_wait3A_105 = tpu.memref_slice %arg6[%add3A_49] : memref<25600xi32, #tpu.memory_space<vmem>> -> memref<128xi32, #tpu.memory_space<vmem>>
      %dma_wait3A_106 = arith.constant 0 : i32
      %dma_wait3A_107 = arith.constant 0 : i32
      %dma_wait3A_108 = tpu.memref_slice %arg3[%dma_wait3A_106, %dma_wait3A_107] : memref<1000000x64xf32, #tpu.memory_space<hbm>> -> memref<1000000x64xf32, #tpu.memory_space<hbm>>
      tpu.wait_indirect_dma semaphore(%arg9 : memref<!tpu.dma_semaphore, #tpu.memory_space<semaphore_mem>>) src(%dma_wait3A_108 : memref<1000000x64xf32, #tpu.memory_space<hbm>>) dst(%dma_wait3A_104 : memref<128x64xf32, #tpu.memory_space<vmem>>)
      %dma_wait3A_109 = arith.constant 640 : i32
      %dma_wait3A_110 = arith.constant 0 : i32
      %dma_wait3A_111 = tpu.memref_slice %arg8[%dma_wait3A_109, %dma_wait3A_110] : memref<800x64xf32, #tpu.memory_space<vmem>> -> memref<128x64xf32, #tpu.memory_space<vmem>>
      %dma_wait3A_112 = tpu.memref_slice %arg6[%add3A_58] : memref<25600xi32, #tpu.memory_space<vmem>> -> memref<128xi32, #tpu.memory_space<vmem>>
      %dma_wait3A_113 = arith.constant 0 : i32
      %dma_wait3A_114 = arith.constant 0 : i32
      %dma_wait3A_115 = tpu.memref_slice %arg3[%dma_wait3A_113, %dma_wait3A_114] : memref<1000000x64xf32, #tpu.memory_space<hbm>> -> memref<1000000x64xf32, #tpu.memory_space<hbm>>
      tpu.wait_indirect_dma semaphore(%arg9 : memref<!tpu.dma_semaphore, #tpu.memory_space<semaphore_mem>>) src(%dma_wait3A_115 : memref<1000000x64xf32, #tpu.memory_space<hbm>>) dst(%dma_wait3A_111 : memref<128x64xf32, #tpu.memory_space<vmem>>)
      %dma_wait3A_116 = arith.constant 768 : i32
      %dma_wait3A_117 = arith.constant 0 : i32
      %dma_wait3A_118 = tpu.memref_slice %arg8[%dma_wait3A_116, %dma_wait3A_117] : memref<800x64xf32, #tpu.memory_space<vmem>> -> memref<32x64xf32, #tpu.memory_space<vmem>>
      %dma_wait3A_119 = tpu.memref_slice %arg6[%add3A_67] : memref<25600xi32, #tpu.memory_space<vmem>> -> memref<32xi32, #tpu.memory_space<vmem>>
      %dma_wait3A_120 = arith.constant 0 : i32
      %dma_wait3A_121 = arith.constant 0 : i32
      %dma_wait3A_122 = tpu.memref_slice %arg3[%dma_wait3A_120, %dma_wait3A_121] : memref<1000000x64xf32, #tpu.memory_space<hbm>> -> memref<1000000x64xf32, #tpu.memory_space<hbm>>
      tpu.wait_indirect_dma semaphore(%arg9 : memref<!tpu.dma_semaphore, #tpu.memory_space<semaphore_mem>>) src(%dma_wait3A_122 : memref<1000000x64xf32, #tpu.memory_space<hbm>>) dst(%dma_wait3A_118 : memref<32x64xf32, #tpu.memory_space<vmem>>)
      %scan3A_123 = arith.constant 0 : i32
      %scan3A_124 = arith.constant 0 : i32
      %scan3A_125 = arith.constant 400 : i32
      %scan3A_126 = arith.addi %scan3A_124, %scan3A_125 : i32
      %scan3A_127 = arith.constant 2 : i32
      scf.for %scan3A_130 = %scan3A_124 to %scan3A_126 step %scan3A_127  : i32 {
        %add3A_131 = arith.constant 0 : i32
        %add3A_132 = arith.addi %add3A_131, %scan3A_130 : i32
        %get3A = arith.index_cast %scan3A_130 : i32 to index
        %get3A_133 = arith.constant 0 : index
        %get3A_134 = tpu.vector_load %arg7[%get3A, %get3A_133] {strides = array<i32>} : memref<400x64xf32, #tpu.memory_space<vmem>>, vector<1x16xf32>,
        %get3A_135 = vector.shape_cast %get3A_134 : vector<1x16xf32> to vector<16xf32>
        %swap3A = arith.index_cast %add3A_132 : i32 to index
        %swap3A_136 = arith.constant 0 : index
        %swap3A_137 = tpu.vector_load %arg8[%swap3A, %swap3A_136] {strides = array<i32>} : memref<800x64xf32, #tpu.memory_space<vmem>>, vector<1x16xf32>,
        %swap3A_138 = vector.shape_cast %swap3A_137 : vector<1x16xf32> to vector<16xf32>
        %swap3A_139 = vector.shape_cast %get3A_135 : vector<16xf32> to vector<1x16xf32>
        tpu.vector_store %arg8[%swap3A, %swap3A_136], %swap3A_139 {add = true, strides = array<i32>} : memref<800x64xf32, #tpu.memory_space<vmem>>, vector<1x16xf32>,
        %add3A_140 = arith.constant 0 : i32
        %add3A_141 = arith.addi %add3A_140, %scan3A_130 : i32
        %get3A_142 = arith.index_cast %scan3A_130 : i32 to index
        %get3A_143 = arith.constant 16 : index
        %get3A_144 = tpu.vector_load %arg7[%get3A_142, %get3A_143] {strides = array<i32>} : memref<400x64xf32, #tpu.memory_space<vmem>>, vector<1x16xf32>,
        %get3A_145 = vector.shape_cast %get3A_144 : vector<1x16xf32> to vector<16xf32>
        %swap3A_146 = arith.index_cast %add3A_141 : i32 to index
        %swap3A_147 = arith.constant 16 : index
        %swap3A_148 = tpu.vector_load %arg8[%swap3A_146, %swap3A_147] {strides = array<i32>} : memref<800x64xf32, #tpu.memory_space<vmem>>, vector<1x16xf32>,
        %swap3A_149 = vector.shape_cast %swap3A_148 : vector<1x16xf32> to vector<16xf32>
        %swap3A_150 = vector.shape_cast %get3A_145 : vector<16xf32> to vector<1x16xf32>
        tpu.vector_store %arg8[%swap3A_146, %swap3A_147], %swap3A_150 {add = true, strides = array<i32>} : memref<800x64xf32, #tpu.memory_space<vmem>>, vector<1x16xf32>,
        %add3A_151 = arith.constant 0 : i32
        %add3A_152 = arith.addi %add3A_151, %scan3A_130 : i32
        %get3A_153 = arith.index_cast %scan3A_130 : i32 to index
        %get3A_154 = arith.constant 32 : index
        %get3A_155 = tpu.vector_load %arg7[%get3A_153, %get3A_154] {strides = array<i32>} : memref<400x64xf32, #tpu.memory_space<vmem>>, vector<1x16xf32>,
        %get3A_156 = vector.shape_cast %get3A_155 : vector<1x16xf32> to vector<16xf32>
        %swap3A_157 = arith.index_cast %add3A_152 : i32 to index
        %swap3A_158 = arith.constant 32 : index
        %swap3A_159 = tpu.vector_load %arg8[%swap3A_157, %swap3A_158] {strides = array<i32>} : memref<800x64xf32, #tpu.memory_space<vmem>>, vector<1x16xf32>,
        %swap3A_160 = vector.shape_cast %swap3A_159 : vector<1x16xf32> to vector<16xf32>
        %swap3A_161 = vector.shape_cast %get3A_156 : vector<16xf32> to vector<1x16xf32>
        tpu.vector_store %arg8[%swap3A_157, %swap3A_158], %swap3A_161 {add = true, strides = array<i32>} : memref<800x64xf32, #tpu.memory_space<vmem>>, vector<1x16xf32>,
        %add3A_162 = arith.constant 0 : i32
        %add3A_163 = arith.addi %add3A_162, %scan3A_130 : i32
        %get3A_164 = arith.index_cast %scan3A_130 : i32 to index
        %get3A_165 = arith.constant 48 : index
        %get3A_166 = tpu.vector_load %arg7[%get3A_164, %get3A_165] {strides = array<i32>} : memref<400x64xf32, #tpu.memory_space<vmem>>, vector<1x16xf32>,
        %get3A_167 = vector.shape_cast %get3A_166 : vector<1x16xf32> to vector<16xf32>
        %swap3A_168 = arith.index_cast %add3A_163 : i32 to index
        %swap3A_169 = arith.constant 48 : index
        %swap3A_170 = tpu.vector_load %arg8[%swap3A_168, %swap3A_169] {strides = array<i32>} : memref<800x64xf32, #tpu.memory_space<vmem>>, vector<1x16xf32>,
        %swap3A_171 = vector.shape_cast %swap3A_170 : vector<1x16xf32> to vector<16xf32>
        %swap3A_172 = vector.shape_cast %get3A_167 : vector<16xf32> to vector<1x16xf32>
        tpu.vector_store %arg8[%swap3A_168, %swap3A_169], %swap3A_172 {add = true, strides = array<i32>} : memref<800x64xf32, #tpu.memory_space<vmem>>, vector<1x16xf32>,
        %add3A_173 = arith.constant 400 : i32
        %add3A_174 = arith.addi %add3A_173, %scan3A_130 : i32
        %get3A_175 = arith.index_cast %scan3A_130 : i32 to index
        %get3A_176 = arith.constant 0 : index
        %get3A_177 = tpu.vector_load %arg7[%get3A_175, %get3A_176] {strides = array<i32>} : memref<400x64xf32, #tpu.memory_space<vmem>>, vector<1x16xf32>,
        %get3A_178 = vector.shape_cast %get3A_177 : vector<1x16xf32> to vector<16xf32>
        %swap3A_179 = arith.index_cast %add3A_174 : i32 to index
        %swap3A_180 = arith.constant 0 : index
        %swap3A_181 = tpu.vector_load %arg8[%swap3A_179, %swap3A_180] {strides = array<i32>} : memref<800x64xf32, #tpu.memory_space<vmem>>, vector<1x16xf32>,
        %swap3A_182 = vector.shape_cast %swap3A_181 : vector<1x16xf32> to vector<16xf32>
        %swap3A_183 = vector.shape_cast %get3A_178 : vector<16xf32> to vector<1x16xf32>
        tpu.vector_store %arg8[%swap3A_179, %swap3A_180], %swap3A_183 {add = true, strides = array<i32>} : memref<800x64xf32, #tpu.memory_space<vmem>>, vector<1x16xf32>,
        %add3A_184 = arith.constant 400 : i32
        %add3A_185 = arith.addi %add3A_184, %scan3A_130 : i32
        %get3A_186 = arith.index_cast %scan3A_130 : i32 to index
        %get3A_187 = arith.constant 16 : index
        %get3A_188 = tpu.vector_load %arg7[%get3A_186, %get3A_187] {strides = array<i32>} : memref<400x64xf32, #tpu.memory_space<vmem>>, vector<1x16xf32>,
        %get3A_189 = vector.shape_cast %get3A_188 : vector<1x16xf32> to vector<16xf32>
        %swap3A_190 = arith.index_cast %add3A_185 : i32 to index
        %swap3A_191 = arith.constant 16 : index
        %swap3A_192 = tpu.vector_load %arg8[%swap3A_190, %swap3A_191] {strides = array<i32>} : memref<800x64xf32, #tpu.memory_space<vmem>>, vector<1x16xf32>,
        %swap3A_193 = vector.shape_cast %swap3A_192 : vector<1x16xf32> to vector<16xf32>
        %swap3A_194 = vector.shape_cast %get3A_189 : vector<16xf32> to vector<1x16xf32>
        tpu.vector_store %arg8[%swap3A_190, %swap3A_191], %swap3A_194 {add = true, strides = array<i32>} : memref<800x64xf32, #tpu.memory_space<vmem>>, vector<1x16xf32>,
        %add3A_195 = arith.constant 400 : i32
        %add3A_196 = arith.addi %add3A_195, %scan3A_130 : i32
        %get3A_197 = arith.index_cast %scan3A_130 : i32 to index
        %get3A_198 = arith.constant 32 : index
        %get3A_199 = tpu.vector_load %arg7[%get3A_197, %get3A_198] {strides = array<i32>} : memref<400x64xf32, #tpu.memory_space<vmem>>, vector<1x16xf32>,
        %get3A_200 = vector.shape_cast %get3A_199 : vector<1x16xf32> to vector<16xf32>
        %swap3A_201 = arith.index_cast %add3A_196 : i32 to index
        %swap3A_202 = arith.constant 32 : index
        %swap3A_203 = tpu.vector_load %arg8[%swap3A_201, %swap3A_202] {strides = array<i32>} : memref<800x64xf32, #tpu.memory_space<vmem>>, vector<1x16xf32>,
        %swap3A_204 = vector.shape_cast %swap3A_203 : vector<1x16xf32> to vector<16xf32>
        %swap3A_205 = vector.shape_cast %get3A_200 : vector<16xf32> to vector<1x16xf32>
        tpu.vector_store %arg8[%swap3A_201, %swap3A_202], %swap3A_205 {add = true, strides = array<i32>} : memref<800x64xf32, #tpu.memory_space<vmem>>, vector<1x16xf32>,
        %add3A_206 = arith.constant 400 : i32
        %add3A_207 = arith.addi %add3A_206, %scan3A_130 : i32
        %get3A_208 = arith.index_cast %scan3A_130 : i32 to index
        %get3A_209 = arith.constant 48 : index
        %get3A_210 = tpu.vector_load %arg7[%get3A_208, %get3A_209] {strides = array<i32>} : memref<400x64xf32, #tpu.memory_space<vmem>>, vector<1x16xf32>,
        %get3A_211 = vector.shape_cast %get3A_210 : vector<1x16xf32> to vector<16xf32>
        %swap3A_212 = arith.index_cast %add3A_207 : i32 to index
        %swap3A_213 = arith.constant 48 : index
        %swap3A_214 = tpu.vector_load %arg8[%swap3A_212, %swap3A_213] {strides = array<i32>} : memref<800x64xf32, #tpu.memory_space<vmem>>, vector<1x16xf32>,
        %swap3A_215 = vector.shape_cast %swap3A_214 : vector<1x16xf32> to vector<16xf32>
        %swap3A_216 = vector.shape_cast %get3A_211 : vector<16xf32> to vector<1x16xf32>
        tpu.vector_store %arg8[%swap3A_212, %swap3A_213], %swap3A_216 {add = true, strides = array<i32>} : memref<800x64xf32, #tpu.memory_space<vmem>>, vector<1x16xf32>,
        %scan3A_217 = arith.constant 1 : i32
        %scan3A_218 = arith.addi %scan3A_130, %scan3A_217 : i32
        %add3A_219 = arith.constant 0 : i32
        %add3A_220 = arith.addi %add3A_219, %scan3A_218 : i32
        %get3A_221 = arith.index_cast %scan3A_218 : i32 to index
        %get3A_222 = arith.constant 0 : index
        %get3A_223 = tpu.vector_load %arg7[%get3A_221, %get3A_222] {strides = array<i32>} : memref<400x64xf32, #tpu.memory_space<vmem>>, vector<1x16xf32>,
        %get3A_224 = vector.shape_cast %get3A_223 : vector<1x16xf32> to vector<16xf32>
        %swap3A_225 = arith.index_cast %add3A_220 : i32 to index
        %swap3A_226 = arith.constant 0 : index
        %swap3A_227 = tpu.vector_load %arg8[%swap3A_225, %swap3A_226] {strides = array<i32>} : memref<800x64xf32, #tpu.memory_space<vmem>>, vector<1x16xf32>,
        %swap3A_228 = vector.shape_cast %swap3A_227 : vector<1x16xf32> to vector<16xf32>
        %swap3A_229 = vector.shape_cast %get3A_224 : vector<16xf32> to vector<1x16xf32>
        tpu.vector_store %arg8[%swap3A_225, %swap3A_226], %swap3A_229 {add = true, strides = array<i32>} : memref<800x64xf32, #tpu.memory_space<vmem>>, vector<1x16xf32>,
        %add3A_230 = arith.constant 0 : i32
        %add3A_231 = arith.addi %add3A_230, %scan3A_218 : i32
        %get3A_232 = arith.index_cast %scan3A_218 : i32 to index
        %get3A_233 = arith.constant 16 : index
        %get3A_234 = tpu.vector_load %arg7[%get3A_232, %get3A_233] {strides = array<i32>} : memref<400x64xf32, #tpu.memory_space<vmem>>, vector<1x16xf32>,
        %get3A_235 = vector.shape_cast %get3A_234 : vector<1x16xf32> to vector<16xf32>
        %swap3A_236 = arith.index_cast %add3A_231 : i32 to index
        %swap3A_237 = arith.constant 16 : index
        %swap3A_238 = tpu.vector_load %arg8[%swap3A_236, %swap3A_237] {strides = array<i32>} : memref<800x64xf32, #tpu.memory_space<vmem>>, vector<1x16xf32>,
        %swap3A_239 = vector.shape_cast %swap3A_238 : vector<1x16xf32> to vector<16xf32>
        %swap3A_240 = vector.shape_cast %get3A_235 : vector<16xf32> to vector<1x16xf32>
        tpu.vector_store %arg8[%swap3A_236, %swap3A_237], %swap3A_240 {add = true, strides = array<i32>} : memref<800x64xf32, #tpu.memory_space<vmem>>, vector<1x16xf32>,
        %add3A_241 = arith.constant 0 : i32
        %add3A_242 = arith.addi %add3A_241, %scan3A_218 : i32
        %get3A_243 = arith.index_cast %scan3A_218 : i32 to index
        %get3A_244 = arith.constant 32 : index
        %get3A_245 = tpu.vector_load %arg7[%get3A_243, %get3A_244] {strides = array<i32>} : memref<400x64xf32, #tpu.memory_space<vmem>>, vector<1x16xf32>,
        %get3A_246 = vector.shape_cast %get3A_245 : vector<1x16xf32> to vector<16xf32>
        %swap3A_247 = arith.index_cast %add3A_242 : i32 to index
        %swap3A_248 = arith.constant 32 : index
        %swap3A_249 = tpu.vector_load %arg8[%swap3A_247, %swap3A_248] {strides = array<i32>} : memref<800x64xf32, #tpu.memory_space<vmem>>, vector<1x16xf32>,
        %swap3A_250 = vector.shape_cast %swap3A_249 : vector<1x16xf32> to vector<16xf32>
        %swap3A_251 = vector.shape_cast %get3A_246 : vector<16xf32> to vector<1x16xf32>
        tpu.vector_store %arg8[%swap3A_247, %swap3A_248], %swap3A_251 {add = true, strides = array<i32>} : memref<800x64xf32, #tpu.memory_space<vmem>>, vector<1x16xf32>,
        %add3A_252 = arith.constant 0 : i32
        %add3A_253 = arith.addi %add3A_252, %scan3A_218 : i32
        %get3A_254 = arith.index_cast %scan3A_218 : i32 to index
        %get3A_255 = arith.constant 48 : index
        %get3A_256 = tpu.vector_load %arg7[%get3A_254, %get3A_255] {strides = array<i32>} : memref<400x64xf32, #tpu.memory_space<vmem>>, vector<1x16xf32>,
        %get3A_257 = vector.shape_cast %get3A_256 : vector<1x16xf32> to vector<16xf32>
        %swap3A_258 = arith.index_cast %add3A_253 : i32 to index
        %swap3A_259 = arith.constant 48 : index
        %swap3A_260 = tpu.vector_load %arg8[%swap3A_258, %swap3A_259] {strides = array<i32>} : memref<800x64xf32, #tpu.memory_space<vmem>>, vector<1x16xf32>,
        %swap3A_261 = vector.shape_cast %swap3A_260 : vector<1x16xf32> to vector<16xf32>
        %swap3A_262 = vector.shape_cast %get3A_257 : vector<16xf32> to vector<1x16xf32>
        tpu.vector_store %arg8[%swap3A_258, %swap3A_259], %swap3A_262 {add = true, strides = array<i32>} : memref<800x64xf32, #tpu.memory_space<vmem>>, vector<1x16xf32>,
        %add3A_263 = arith.constant 400 : i32
        %add3A_264 = arith.addi %add3A_263, %scan3A_218 : i32
        %get3A_265 = arith.index_cast %scan3A_218 : i32 to index
        %get3A_266 = arith.constant 0 : index
        %get3A_267 = tpu.vector_load %arg7[%get3A_265, %get3A_266] {strides = array<i32>} : memref<400x64xf32, #tpu.memory_space<vmem>>, vector<1x16xf32>,
        %get3A_268 = vector.shape_cast %get3A_267 : vector<1x16xf32> to vector<16xf32>
        %swap3A_269 = arith.index_cast %add3A_264 : i32 to index
        %swap3A_270 = arith.constant 0 : index
        %swap3A_271 = tpu.vector_load %arg8[%swap3A_269, %swap3A_270] {strides = array<i32>} : memref<800x64xf32, #tpu.memory_space<vmem>>, vector<1x16xf32>,
        %swap3A_272 = vector.shape_cast %swap3A_271 : vector<1x16xf32> to vector<16xf32>
        %swap3A_273 = vector.shape_cast %get3A_268 : vector<16xf32> to vector<1x16xf32>
        tpu.vector_store %arg8[%swap3A_269, %swap3A_270], %swap3A_273 {add = true, strides = array<i32>} : memref<800x64xf32, #tpu.memory_space<vmem>>, vector<1x16xf32>,
        %add3A_274 = arith.constant 400 : i32
        %add3A_275 = arith.addi %add3A_274, %scan3A_218 : i32
        %get3A_276 = arith.index_cast %scan3A_218 : i32 to index
        %get3A_277 = arith.constant 16 : index
        %get3A_278 = tpu.vector_load %arg7[%get3A_276, %get3A_277] {strides = array<i32>} : memref<400x64xf32, #tpu.memory_space<vmem>>, vector<1x16xf32>,
        %get3A_279 = vector.shape_cast %get3A_278 : vector<1x16xf32> to vector<16xf32>
        %swap3A_280 = arith.index_cast %add3A_275 : i32 to index
        %swap3A_281 = arith.constant 16 : index
        %swap3A_282 = tpu.vector_load %arg8[%swap3A_280, %swap3A_281] {strides = array<i32>} : memref<800x64xf32, #tpu.memory_space<vmem>>, vector<1x16xf32>,
        %swap3A_283 = vector.shape_cast %swap3A_282 : vector<1x16xf32> to vector<16xf32>
        %swap3A_284 = vector.shape_cast %get3A_279 : vector<16xf32> to vector<1x16xf32>
        tpu.vector_store %arg8[%swap3A_280, %swap3A_281], %swap3A_284 {add = true, strides = array<i32>} : memref<800x64xf32, #tpu.memory_space<vmem>>, vector<1x16xf32>,
        %add3A_285 = arith.constant 400 : i32
        %add3A_286 = arith.addi %add3A_285, %scan3A_218 : i32
        %get3A_287 = arith.index_cast %scan3A_218 : i32 to index
        %get3A_288 = arith.constant 32 : index
        %get3A_289 = tpu.vector_load %arg7[%get3A_287, %get3A_288] {strides = array<i32>} : memref<400x64xf32, #tpu.memory_space<vmem>>, vector<1x16xf32>,
        %get3A_290 = vector.shape_cast %get3A_289 : vector<1x16xf32> to vector<16xf32>
        %swap3A_291 = arith.index_cast %add3A_286 : i32 to index
        %swap3A_292 = arith.constant 32 : index
        %swap3A_293 = tpu.vector_load %arg8[%swap3A_291, %swap3A_292] {strides = array<i32>} : memref<800x64xf32, #tpu.memory_space<vmem>>, vector<1x16xf32>,
        %swap3A_294 = vector.shape_cast %swap3A_293 : vector<1x16xf32> to vector<16xf32>
        %swap3A_295 = vector.shape_cast %get3A_290 : vector<16xf32> to vector<1x16xf32>
        tpu.vector_store %arg8[%swap3A_291, %swap3A_292], %swap3A_295 {add = true, strides = array<i32>} : memref<800x64xf32, #tpu.memory_space<vmem>>, vector<1x16xf32>,
        %add3A_296 = arith.constant 400 : i32
        %add3A_297 = arith.addi %add3A_296, %scan3A_218 : i32
        %get3A_298 = arith.index_cast %scan3A_218 : i32 to index
        %get3A_299 = arith.constant 48 : index
        %get3A_300 = tpu.vector_load %arg7[%get3A_298, %get3A_299] {strides = array<i32>} : memref<400x64xf32, #tpu.memory_space<vmem>>, vector<1x16xf32>,
        %get3A_301 = vector.shape_cast %get3A_300 : vector<1x16xf32> to vector<16xf32>
        %swap3A_302 = arith.index_cast %add3A_297 : i32 to index
        %swap3A_303 = arith.constant 48 : index
        %swap3A_304 = tpu.vector_load %arg8[%swap3A_302, %swap3A_303] {strides = array<i32>} : memref<800x64xf32, #tpu.memory_space<vmem>>, vector<1x16xf32>,
        %swap3A_305 = vector.shape_cast %swap3A_304 : vector<1x16xf32> to vector<16xf32>
        %swap3A_306 = vector.shape_cast %get3A_301 : vector<16xf32> to vector<1x16xf32>
        tpu.vector_store %arg8[%swap3A_302, %swap3A_303], %swap3A_306 {add = true, strides = array<i32>} : memref<800x64xf32, #tpu.memory_space<vmem>>, vector<1x16xf32>,
      }
      %scan3A_128 = arith.constant 400 : i32
      %add3A_129 = arith.addi %mul3A_2, %mul3A_12 : i32
      "tpu.region"() ({
        %run_scoped3A = tpu.sem_alloc : memref<!tpu.dma_semaphore, #tpu.memory_space<semaphore_mem>>
        %dma_start3A_130 = arith.constant 0 : i32
        %dma_start3A_131 = tpu.memref_slice %arg5[%add3A_129, %dma_start3A_130] : memref<819200x64xf32, #tpu.memory_space<hbm>> -> memref<800x64xf32, #tpu.memory_space<hbm>>
        %dma_start3A_132 = arith.constant 0 : i32
        %dma_start3A_133 = tpu.memref_slice %arg5[%add3A_129, %dma_start3A_132] : memref<819200x64xf32, #tpu.memory_space<hbm>> -> memref<800x64xf32, #tpu.memory_space<hbm>>
        tpu.enqueue_dma source(%arg8 : memref<800x64xf32, #tpu.memory_space<vmem>>) target(%dma_start3A_133 : memref<800x64xf32, #tpu.memory_space<hbm>>) target_semaphore(%run_scoped3A : memref<!tpu.dma_semaphore, #tpu.memory_space<semaphore_mem>>)
        %dma_wait3A_134 = arith.constant 0 : i32
        %dma_wait3A_135 = tpu.memref_slice %arg5[%add3A_129, %dma_wait3A_134] : memref<819200x64xf32, #tpu.memory_space<hbm>> -> memref<800x64xf32, #tpu.memory_space<hbm>>
        %dma_wait3A_136 = arith.constant 0 : i32
        %dma_wait3A_137 = tpu.memref_slice %arg5[%add3A_129, %dma_wait3A_136] : memref<819200x64xf32, #tpu.memory_space<hbm>> -> memref<800x64xf32, #tpu.memory_space<hbm>>
        tpu.wait_dma2 semaphore(%run_scoped3A : memref<!tpu.dma_semaphore, #tpu.memory_space<semaphore_mem>>) src(%arg8 : memref<800x64xf32, #tpu.memory_space<vmem>>) dst(%dma_wait3A_137 : memref<800x64xf32, #tpu.memory_space<hbm>>)
        tpu.yield
      }) : () -> ()
    }
    %scan3A_7 = arith.constant 32 : i32
    return
  }
}

</mosaic_0001>

<sc_bundles>
// kernel: kernel.3.cloned.1.call-start
scs
__scs_entry_jumppad:
0x0: {  	(pc) =	sbr.rel $0x88, $3  }
0x1: {  	(tag) =	ssettag $0x0;
	lr =	simm.s32 $0x1  }
0x2: {  	[smem:$0x3F9E] =	sst lr;
	_ =	strace $0xD0000000  }
0x3: {  	_ = 	snop  }
0x4: {  	_ = 	snop  }
0x5: {  	_ = 	snop  }
0x6: {  	_ = 	snop  }
0x7: {  	_ = 	snop  }
__scs_overlays_trampoline_lowered:
0x8: {  	[smem:$0x3FAD] =	sst s0  }
0x9: {  	[smem:$0x3FAE] =	sst s1  }
0xa: {  	[smem:$0x3FAF] =	sst s2  }
0xb: {  	[smem:$0x3FB0] =	sst s3  }
0xc: {  	[smem:$0x3FB1] =	sst s4  }
0xd: {  	[smem:$0x3FB2] =	sst s5  }
0xe: {  	[smem:$0x3FB3] =	sst s6  }
0xf: {  	[smem:$0x3FB4] =	sst s7  }
0x10: {  	[smem:$0x3FB5] =	sst s8  }
0x11: {  	[smem:$0x3FB6] =	sst s9;
	s0 =	simm.s32 @!p0 $0x0  }
0x12: {  	s1 =	sld [smem:$0x3F9C];
	s0 =	simm.s32 @p0 $0x1  }
0x13: {  	[smem:$0x3FB7] =	sst s0;
	s0 =	simm.s32 @!p1 $0x0  }
0x14: {  	s2 =	sld [smem:$0x3F9B];
	s0 =	simm.s32 @p1 $0x1  }
0x15: {  	[smem:$0x3FB8] =	sst s0;
	s0 =	simm.s32 @!p2 $0x0  }
0x16: {  	s3 =	sld [smem:$0x3FDB];
	s0 =	simm.s32 @p2 $0x1  }
0x17: {  	s4 =	simm.s32 $0x1BF5;
	[smem:$0x3FBA] =	sst s0  }
0x18: {  	s0 =	sld [smem:$0x3F9D];
	_ =	swait.ge [sflag:s4], $0x0  }
0x19: {  	s7 =	sld [smem:$0x3F9E]  }
0x1a: {  	s8 =	sadd.s32 $0xFFFFE003, lr  }
0x1b: {  	s9 =	sadd.s32 $0xFFFFFEF7, lr;
	s5 =	simm.s32 $0xFFFFFFFF;
	p2 =	slt.u32 s8, $0xFFFFF086  }
0x1c: {  	p1 =	slt.u32 s9, $0xF7A;
	s5 =	simm.s32 @!p2 $0x0  }
0x1d: {  	s5 =	simm.s32 @p1 $0x1;
	p0 =	seq.s32 s7, s2  }
0x1e: {  	s7 =	smul.u32 @!p0 $0xF7A, s2;
	p2 =	seq.s32 @!p0 s5, $0x0  }
0x1f: {  	s9 =	smul.u32 $0xF7A, s1;
	s8 =	simm.s32 @!p0 $0x1BF5;
	p2 =	por !p2, p0  }
0x20: {  	[sflag:s8] =	ssyncset.s32 @!p0 $0xFFFFF086;
	s6 =	sadd.s32 @!p0 s3, s7;
	s7 =	simm.s32 @!p0 $0x108  }
0x21: {  	s3 =	sadd.s32 s3, s9;
	s6 =	sadd.s32 @!p0 $0x88, s6;
	s7 =	simm.s32 @p2 $0x1082  }
0x22: {  	[simem:s7], [sflag:s8] =	dma.local @!p0 [hbm:s6], $0xF7A  }
0x23: {  	s9 =	sor.u32 $0xD0000000, s2;
	s6 =	simm.s32 $0x108;
	_ =	swait.ge @!p0 [sflag:s8], $0x0  }
0x24: {  	s3 =	sadd.s32 $0x88, s3;
	s6 =	simm.s32 @!p1 $0x1082;
	[sflag:s4] =	ssyncset.s32 $0xFFFFF086  }
0x25: {  	[simem:s6], [sflag:s4] =	dma.local [hbm:s3], $0xF7A  }
0x26: {  	[smem:$0x3F9E] =	sst s1;
	(tag) =	ssettag s2;
	_ =	strace s9  }
0x27: {  	s1 =	sld [smem:$0x3FAE]  }
0x28: {  	s2 =	sld [smem:$0x3FAF]  }
0x29: {  	s4 =	sld [smem:$0x3FB1]  }
0x2a: {  	p0 =	seq.s32 s5, $0x0;
	s5 =	sld [smem:$0x3FB2]  }
0x2b: {  	s6 =	sld [smem:$0x3FB3]  }
0x2c: {  	s7 =	sld [smem:$0x3FB4]  }
0x2d: {  	s3 =	simm.s32 $0x108;
	s8 =	sld [smem:$0x3FB5]  }
0x2e: {  	s3 =	simm.s32 @!p0 $0x1082;
	s9 =	sld [smem:$0x3FB6]  }
0x2f: {  	lr =	sadd.s32 s0, s3;
	s0 =	sld [smem:$0x3FAD]  }
0x30: {  	s3 =	sld [smem:$0x3FB0]  }
0x31: {  	[smem:$0x3FB9] =	sst s10  }
0x32: {  	s10 =	sld [smem:$0x3FB7];
	_ =	sdelay $0x3  }
0x33: {  	p0 =	seq.s32 s10, $0x1;
	s10 =	sld [smem:$0x3FB9];
	_ =	sdelay $0x3  }
0x34: {  	[smem:$0x3FB9] =	sst s10  }
0x35: {  	s10 =	sld [smem:$0x3FB8];
	_ =	sdelay $0x3  }
0x36: {  	p1 =	seq.s32 s10, $0x1;
	s10 =	sld [smem:$0x3FB9];
	_ =	sdelay $0x3  }
0x37: {  	[smem:$0x3FB9] =	sst s10  }
0x38: {  	s10 =	sld [smem:$0x3FBA]  }
0x39: {  	_ = 	snop;
	(pc) =	sbr.ind lr, $3  }
0x3a: {  	_ = 	snop  }
0x3b: {  	_ = 	snop  }
0x3c: {  	p2 =	seq.s32 s10, $0x1;
	s10 =	sld [smem:$0x3FB9]  }
0x3d: {  	_ =	shalt  }
0x3e: {  	_ =	shalt  }
0x3f: {  	_ =	shalt  }
0x40: {  	_ =	shalt  }
0x41: {  	_ =	shalt  }
0x42: {  	_ =	shalt  }
0x43: {  	_ =	shalt  }
0x44: {  	_ =	shalt  }
0x45: {  	_ =	shalt  }
0x46: {  	_ =	shalt  }
0x47: {  	_ =	shalt  }
0x48: {  	_ =	shalt  }
0x49: {  	_ =	shalt  }
0x4a: {  	_ =	shalt  }
0x4b: {  	_ =	shalt  }
0x4c: {  	_ =	shalt  }
0x4d: {  	_ =	shalt  }
0x4e: {  	_ =	shalt  }
0x4f: {  	_ =	shalt  }
0x50: {  	_ =	shalt  }
0x51: {  	_ =	shalt  }
0x52: {  	_ =	shalt  }
0x53: {  	_ =	shalt  }
0x54: {  	_ =	shalt  }
0x55: {  	_ =	shalt  }
0x56: {  	_ =	shalt  }
0x57: {  	_ =	shalt  }
0x58: {  	_ =	shalt  }
0x59: {  	_ =	shalt  }
0x5a: {  	_ =	shalt  }
0x5b: {  	_ =	shalt  }
0x5c: {  	_ =	shalt  }
0x5d: {  	_ =	shalt  }
0x5e: {  	_ =	shalt  }
0x5f: {  	_ =	shalt  }
0x60: {  	_ =	shalt  }
0x61: {  	_ =	shalt  }
0x62: {  	_ =	shalt  }
0x63: {  	_ =	shalt  }
0x64: {  	_ =	shalt  }
0x65: {  	_ =	shalt  }
0x66: {  	_ =	shalt  }
0x67: {  	_ =	shalt  }
0x68: {  	_ =	shalt  }
0x69: {  	_ =	shalt  }
0x6a: {  	_ =	shalt  }
0x6b: {  	_ =	shalt  }
0x6c: {  	_ =	shalt  }
0x6d: {  	_ =	shalt  }
0x6e: {  	_ =	shalt  }
0x6f: {  	_ =	shalt  }
0x70: {  	_ =	shalt  }
0x71: {  	_ =	shalt  }
0x72: {  	_ =	shalt  }
0x73: {  	_ =	shalt  }
0x74: {  	_ =	shalt  }
0x75: {  	_ =	shalt  }
0x76: {  	_ =	shalt  }
0x77: {  	_ =	shalt  }
0x78: {  	_ =	shalt  }
0x79: {  	_ =	shalt  }
0x7a: {  	_ =	shalt  }
0x7b: {  	_ =	shalt  }
0x7c: {  	_ =	shalt  }
0x7d: {  	_ =	shalt  }
0x7e: {  	_ =	shalt  }
0x7f: {  	_ =	shalt  }
0x80: {  	_ =	shalt  }
0x81: {  	_ =	shalt  }
0x82: {  	_ =	shalt  }
0x83: {  	_ =	shalt  }
0x84: {  	_ =	shalt  }
0x85: {  	_ =	shalt  }
0x86: {  	_ =	shalt  }
0x87: {  	_ =	shalt  }
.Lfunc_end0:
.L_simem_size_0:
called_computation.1_lowered:
.L_overlay_start_0:
0x88: {  	s2 =	sld [smem:$0x3FD9]  }
0x89: {  	s3 =	sld [smem:$0x3FFE];
	_ =	sdelay $0x1  }
0x8a: {  	s1 =	srdreg.scid  }
0x8b: {  	s0 =	sand.u32 $0x1, s1  }
0x8c: {  	s17 =	sshll.u32 s0, $0xA;
	s2 =	sadd.s32 s3, s2  }
0x8d: {  	s2 =	sadd.s32 s2, s17  }
0x8e: {  	[smem:$0x3FC5] =	sst s2  }
0x8f: {  	_ = 	snop  }
0x90: {  	s2 =	sld [smem:$0x3FD0];
	(tm) =	ssettm $0x1  }
0x91: {  	s18 =	sld [smem:$0x3FFB];
	_ =	sdelay $0x3  }
0x92: {  	_ =	strace s18  }
0x93: {  	s3 =	sld [smem:$0x3FFC];
	_ =	sdelay $0x3  }
0x94: {  	_ =	strace s3  }
0x95: {  	s3 =	sld [smem:$0x3FFD];
	_ =	sdelay $0x3  }
0x96: {  	_ =	strace s3  }
0x97: {  	_ =	strace $0x8FFFFFFF  }
0x98: {  	s19 =	sld [smem:$0x3FDB];
	_ =	sdelay $0x1  }
0x99: {  	s4 =	simm.s32 $_scs_section_size  }
0x9a: {  	s5 =	simm.s32 $_size__tile_overlayer_lowered;
	s6 =	simm.s32 $_tile_overlayer_lowered  }
0x9b: {  	s22 =	simm.s32 $0x1BFF;
	s21 =	sshll.u32 s6, $0x1;
	s3 =	sadd.s32 s4, s19  }
0x9c: {  	s7 =	simm.s32 $0x0;
	s20 =	sshll.u32 s5, $0x1;
	s5 =	sadd.s32 s21, s3  }
0x9d: {  	[timem:s7], [sflag:s22] =	dma.local [hbm:s5], s20  }
0x9e: {  	_ =	swait.ge [sflag:s22], s20  }
0x9f: {  	s4 =	ssub.s32 $0x0, s20;
	[sflag:s22] =	ssyncset.done $0x0  }
0xa0: {  	[sflag:s22] =	ssyncadd.s32 s4;
	_ =	sdelay $0x1  }
0xa1: {  	s23 =	simm.s32 $0x1B8B  }
0xa2: {  	_ =	swait.ge [sflag:s23], $0x1  }
0xa3: {  	[sflag:s23] =	ssyncset.done $0x0  }
0xa4: {  	s25 =	simm.s32 $0x1B8E;
	s24 =	sld [smem:$0x3FFE];
	[sflag:s23] =	ssyncadd.s32 $0xFFFFFFFF  }
0xa5: {  	s26 =	simm.s32 $execute0_lowered;
	[smem:$0x3FD2] =	sst s25  }
0xa6: {  	s5 =	sshll.u32 s26, $0x1;
	_ =	strace $0x80000046;
	[dreg:$0x1] =	wrdreg $0xFFFFFFFF  }
0xa7: {  	s28 =	simm.s32 $_size_execute0_lowered;
	s3 =	sadd.s32 s3, s5;
	[dreg:$0x0] =	wrdreg $0x0  }
0xa8: {  	s5 =	sshll.u32 s28, $0x1;
	[dreg:$0x2] =	wrdreg s3  }
0xa9: {  	[dreg:$0x3] =	wrdreg s5  }
0xaa: {  	[dreg:$0x4] =	wrdreg $0xC0  }
0xab: {  	_ =	task [dreg:s7], $0x5FFFF  }
0xac: {  	[dreg:$0x1] =	wrdreg $0xFFFFFFFF  }
0xad: {  	[dreg:$0x0] =	wrdreg $0x60  }
0xae: {  	[dreg:$0x2] =	wrdreg s24  }
0xaf: {  	[dreg:$0x3] =	wrdreg s2  }
0xb0: {  	[dreg:$0x4] =	wrdreg $0x9  }
0xb1: {  	_ =	task.clear_ibuf [dreg:s7], $0x5FFFF;
	_ =	strace $0x90000046  }
0xb2: {  	s29 =	simm.s32 $0x9;
	_ =	strace $0x80000048  }
0xb3: {  	_ =	swait.ge [sflag:s29], $0x1  }
0xb4: {  	[sflag:s29] =	ssyncadd.s32 $0xFFFFFFFF  }
0xb5: {  	_ =	strace $0x90000048  }
0xb6: {  	_ =	sfence  }
0xb7: {  	s30 =	sld [smem:$0x0];
	_ =	sdelay $0x2  }
0xb8: {  	s31 =	sshll.u32 s1, $0xD;
	s1 =	sshrl.u32 s1, $0x2  }
0xb9: {  	s3 =	sand.u32 $0x4000, s31;
	s1 =	sadd.s32 s1, s30  }
0xba: {  	s0 =	sor.u32 s3, s0;
	s1 =	sshll.u32 s1, $0x11  }
0xbb: {  	s0 =	sor.u32 s1, s0  }
0xbc: {  	s0 =	sadd.s32 $0x8F2B, s0  }
0xbd: {  	[sflag:s0] =	ssyncadd.remote.s32 $0x1  }
0xbe: {  	_ =	sfence.sel $0xFFFF  }
0xbf: {  	[dreg:$0x0] =	wrdreg $0xFFFFFFFF;
	(pc) =	sbr.abs _section_cstart, $3  }
0xc0: {  	[dreg:$0x1] =	wrdreg $0xFFFFFFFF  }
0xc1: {  	_ =	task.clear_ibuf [dreg:s7], $0x2FFFF;
	_ =	strace $0x9FFFFFFF  }
0xc2: {  	(tm) =	ssettm $0x7FFFFFFF  }
0xc3: {  	_ =	shalt  }
tec
execute0_lowered:
.L_overlay_start_1:
0x0: {  	(tag) =	ssettag $0x1  }
0x1: {  	s1 =	srdreg.scid;
	s6 =	rddreg [dreg:$0x0]  }
0x2: {  	s0 =	stileid.u32;
	s2 =	rddreg [dreg:$0x1];
	s3 =	simm.s32 $0x0  }
0x3: {  	s10 =	simm.s32 $0x6400;
	s11 =	simm.s32 $0x9600;
	s12 =	simm.s32 $0x80  }
0x4: {  	s13 =	simm.s32 $0xC800;
	s14 =	simm.s32 $0xE800;
	s15 =	simm.s32 $0x10800  }
0x5: {  	s16 =	simm.s32 $0x12800;
	s17 =	simm.s32 $0x14800;
	s18 =	simm.s32 $0x16800  }
0x6: {  	s19 =	simm.s32 $0x20;
	s5 =	sand.u32 $0x1, s1;
	s31 =	sshll.u32 s0, $0x1  }
0x7: {  	s20 =	simm.s32 $0x18800;
	s21 =	simm.s32 $0x1;
	s4 =	sor.u32 s5, s31  }
0x8: {  	s22 =	simm.s32 $0x0;
	[smem:$0x7FF] =	sst s3;
	s4 =	smul.u32 $0x6400, s4  }
0x9: {  	s1 =	rddreg [dreg:$0x2];
	_ =	strace $0x80000047;
	s8 =	ssub.s32 $0x2, s5  }
0xa: {  	s5 =	sadd.s32 $0xF43000, s6;
	s9 =	sshrl.u32 s8, $0x1;
	s7 =	sshrl.u32 s4, $0x3  }
0xb: {  	s8 =	ssub.s32 s8, s9;
	s9 =	simm.s32 $0x2;
	s7 =	sadd.s32 s7, s6  }
0xc: {  	s8 =	smax.u32 s8, $0x1;
	s6 =	sadd.s32 $0x19C00, s6;
	s7 =	sadd.s32 $0xC00, s7  }
.LBB2_1:
0xd: {  	[tilespmem:s3], [sflag:$0x2] =	stream.linear.gather [hbm4b:s7+s3], $0x6400, $0x38;
	[tilespmem:$0x19000] =	vst v63  }
0xe: {  	_ =	swait.ge [sflag:s9], $0x6400  }
0xf: {  	[sflag:s9] =	ssyncset.done $0x0  }
0x10: {  	[sflag:s9] =	ssyncadd.s32 $0xFFFF9C00  }
0x11: {  	[tilespmem:s10], [sflag:$0x2] =	stream.linear.gather [hbm4b:s6+s3], $0x3200, $0x38;
	[tilespmem:$0x19000] =	vst v63  }
0x12: {  	_ =	swait.ge [sflag:s9], $0x3200  }
0x13: {  	[sflag:s9] =	ssyncset.done $0x0  }
0x14: {  	[sflag:s9] =	ssyncadd.s32 $0xFFFFCE00  }
0x15: {  	[tilespmem:s11], [sflag:$0x2] =	stream.linear.gather [hbm4b:s6+s3], $0x3200, $0x38;
	[tilespmem:$0x19000] =	vst v63  }
0x16: {  	_ =	swait.ge [sflag:s9], $0x3200  }
0x17: {  	[sflag:s9] =	ssyncset.done $0x0  }
0x18: {  	s23 =	simm.s32 $0x0;
	[sflag:s9] =	ssyncadd.s32 $0xFFFFCE00  }
.LBB2_2:
0x19: {  	s24 =	smul.u32 $0x320, s23;
	_ =	sdelay $0x1  }
0x1a: {  	[tilespmem:s13], [sflag:$0x1] =	stream.indirect.gather [hbm4b:s5+s12], $0x40, s24, s12, $0xb8;
	[tilespmem:$0x19000] =	vst v63  }
0x1b: {  	s25 =	sadd.s32 $0x80, s24  }
0x1c: {  	[tilespmem:s14], [sflag:$0x1] =	stream.indirect.gather [hbm4b:s5+s12], $0x40, s25, s12, $0xb8;
	[tilespmem:$0x19000] =	vst v63  }
0x1d: {  	s31 =	sadd.s32 $0x100, s24  }
0x1e: {  	[tilespmem:s15], [sflag:$0x1] =	stream.indirect.gather [hbm4b:s5+s12], $0x40, s31, s12, $0xb8;
	[tilespmem:$0x19000] =	vst v63  }
0x1f: {  	s26 =	sadd.s32 $0x180, s24  }
0x20: {  	[tilespmem:s16], [sflag:$0x1] =	stream.indirect.gather [hbm4b:s5+s12], $0x40, s26, s12, $0xb8;
	[tilespmem:$0x19000] =	vst v63  }
0x21: {  	s29 =	sadd.s32 $0x200, s24  }
0x22: {  	[tilespmem:s17], [sflag:$0x1] =	stream.indirect.gather [hbm4b:s5+s12], $0x40, s29, s12, $0xb8;
	[tilespmem:$0x19000] =	vst v63  }
0x23: {  	s30 =	sadd.s32 $0x280, s24  }
0x24: {  	[tilespmem:s18], [sflag:$0x1] =	stream.indirect.gather [hbm4b:s5+s12], $0x40, s30, s12, $0xb8;
	[tilespmem:$0x19000] =	vst v63  }
0x25: {  	s31 =	sadd.s32 $0x300, s24  }
0x26: {  	[tilespmem:s20], [sflag:$0x1] =	stream.indirect.gather [hbm4b:s5+s19], $0x40, s31, s19, $0xb8;
	[tilespmem:$0x19000] =	vst v63  }
0x27: {  	_ =	swait.ge [sflag:s21], $0x2000  }
0x28: {  	[sflag:s21] =	ssyncset.done $0x0  }
0x29: {  	[sflag:s21] =	ssyncadd.s32 $0xFFFFE000  }
0x2a: {  	_ =	swait.ge [sflag:s21], $0x2000  }
0x2b: {  	[sflag:s21] =	ssyncset.done $0x0  }
0x2c: {  	[sflag:s21] =	ssyncadd.s32 $0xFFFFE000  }
0x2d: {  	_ =	swait.ge [sflag:s21], $0x2000  }
0x2e: {  	[sflag:s21] =	ssyncset.done $0x0  }
0x2f: {  	[sflag:s21] =	ssyncadd.s32 $0xFFFFE000  }
0x30: {  	_ =	swait.ge [sflag:s21], $0x2000  }
0x31: {  	[sflag:s21] =	ssyncset.done $0x0  }
0x32: {  	[sflag:s21] =	ssyncadd.s32 $0xFFFFE000  }
0x33: {  	_ =	swait.ge [sflag:s21], $0x2000  }
0x34: {  	[sflag:s21] =	ssyncset.done $0x0  }
0x35: {  	[sflag:s21] =	ssyncadd.s32 $0xFFFFE000  }
0x36: {  	_ =	swait.ge [sflag:s21], $0x2000  }
0x37: {  	[sflag:s21] =	ssyncset.done $0x0  }
0x38: {  	[sflag:s21] =	ssyncadd.s32 $0xFFFFE000  }
0x39: {  	_ =	swait.ge [sflag:s21], $0x800  }
0x3a: {  	[sflag:s21] =	ssyncset.done $0x0  }
0x3b: {  	s25 =	simm.s32 $0x0;
	[sflag:s21] =	ssyncadd.s32 $0xFFFFF800  }
0x3c: {  	v0 =	vld [tilespmem:s25+$0x6470]  }
0x3d: {  	v1 =	vld [tilespmem:s25+$0x6400]  }
0x3e: {  	v2 =	vld [tilespmem:s25+$0x6410]  }
0x3f: {  	v3 =	vld [tilespmem:s25+$0x6420]  }
0x40: {  	v4 =	vld [tilespmem:s25+$0x6430]  }
0x41: {  	v5 =	vld [tilespmem:s25+$0x6400]  }
0x42: {  	v6 =	vld [tilespmem:s25+$0x6410]  }
0x43: {  	v7 =	vld [tilespmem:s25+$0x6420]  }
0x44: {  	v8 =	vld [tilespmem:s25+$0x6430]  }
0x45: {  	v9 =	vld [tilespmem:s25+$0x6440]  }
0x46: {  	v10 =	vld [tilespmem:s25+$0x6450]  }
0x47: {  	v11 =	vld [tilespmem:s25+$0x6460]  }
0x48: {  	v12 =	vld [tilespmem:s25+$0x6470]  }
0x49: {  	v13 =	vld [tilespmem:s25+$0x6440]  }
0x4a: {  	v14 =	vld [tilespmem:s25+$0x6450]  }
0x4b: {  	[tilespmem:s25+$0x12C70] =	vst.add.f32.msk $0xffff, v0  }
0x4c: {  	v0 =	vld [tilespmem:s25+$0x6460]  }
0x4d: {  	[tilespmem:s25+$0xC800] =	vst.add.f32.msk $0xffff, v1  }
0x4e: {  	[tilespmem:s25+$0xC810] =	vst.add.f32.msk $0xffff, v2  }
0x4f: {  	[tilespmem:s25+$0xC820] =	vst.add.f32.msk $0xffff, v3  }
0x50: {  	[tilespmem:s25+$0xC830] =	vst.add.f32.msk $0xffff, v4  }
0x51: {  	[tilespmem:s25+$0x12C00] =	vst.add.f32.msk $0xffff, v5  }
0x52: {  	[tilespmem:s25+$0x12C10] =	vst.add.f32.msk $0xffff, v6  }
0x53: {  	[tilespmem:s25+$0x12C20] =	vst.add.f32.msk $0xffff, v7  }
0x54: {  	[tilespmem:s25+$0x12C30] =	vst.add.f32.msk $0xffff, v8  }
0x55: {  	[tilespmem:s25+$0xC840] =	vst.add.f32.msk $0xffff, v9  }
0x56: {  	[tilespmem:s25+$0xC850] =	vst.add.f32.msk $0xffff, v10  }
0x57: {  	[tilespmem:s25+$0xC860] =	vst.add.f32.msk $0xffff, v11  }
0x58: {  	[tilespmem:s25+$0xC870] =	vst.add.f32.msk $0xffff, v12  }
0x59: {  	[tilespmem:s25+$0x12C40] =	vst.add.f32.msk $0xffff, v13  }
0x5a: {  	s28 =	simm.s32 $0x200;
	s26 =	simm.s32 $0x0;
	[tilespmem:s25+$0x12C50] =	vst.add.f32.msk $0xffff, v14  }
.LBB2_3:
0x5b: {  	s26 =	sadd.s32 $0x2, s26;
	[tilespmem:s25+$0x12C60] =	vst.add.f32.msk $0xffff, v0;
	s25 =	sshra.s32 s28, $0x2  }
0x5c: {  	v0 =	vld [tilespmem:s25+$0x6470];
	p0 =	slt.u32 s26, $0x18E  }
0x5d: {  	v1 =	vld [tilespmem:s25+$0x6400]  }
0x5e: {  	v2 =	vld [tilespmem:s25+$0x6410]  }
0x5f: {  	v3 =	vld [tilespmem:s25+$0x6420]  }
0x60: {  	v4 =	vld [tilespmem:s25+$0x6430]  }
0x61: {  	[tilespmem:s25+$0x12C70] =	vst.add.f32.msk $0xffff, v0  }
0x62: {  	v5 =	vld [tilespmem:s25+$0x6400]  }
0x63: {  	v6 =	vld [tilespmem:s25+$0x6410]  }
0x64: {  	v7 =	vld [tilespmem:s25+$0x6420]  }
0x65: {  	v8 =	vld [tilespmem:s25+$0x6430]  }
0x66: {  	v9 =	vld [tilespmem:s25+$0x6440]  }
0x67: {  	v10 =	vld [tilespmem:s25+$0x6450]  }
0x68: {  	v11 =	vld [tilespmem:s25+$0x6460]  }
0x69: {  	v12 =	vld [tilespmem:s25+$0x6470]  }
0x6a: {  	v13 =	vld [tilespmem:s25+$0x6440]  }
0x6b: {  	v14 =	vld [tilespmem:s25+$0x6450]  }
0x6c: {  	v0 =	vld [tilespmem:s25+$0x6460]  }
0x6d: {  	[tilespmem:s25+$0xC800] =	vst.add.f32.msk $0xffff, v1  }
0x6e: {  	[tilespmem:s25+$0xC810] =	vst.add.f32.msk $0xffff, v2  }
0x6f: {  	[tilespmem:s25+$0xC820] =	vst.add.f32.msk $0xffff, v3  }
0x70: {  	[tilespmem:s25+$0xC830] =	vst.add.f32.msk $0xffff, v4  }
0x71: {  	[tilespmem:s25+$0x12C00] =	vst.add.f32.msk $0xffff, v5  }
0x72: {  	[tilespmem:s25+$0x12C10] =	vst.add.f32.msk $0xffff, v6  }
0x73: {  	[tilespmem:s25+$0x12C20] =	vst.add.f32.msk $0xffff, v7  }
0x74: {  	[tilespmem:s25+$0x12C30] =	vst.add.f32.msk $0xffff, v8  }
0x75: {  	[tilespmem:s25+$0xC840] =	vst.add.f32.msk $0xffff, v9  }
.Ltmp0:
0x76: {  	[tilespmem:s25+$0xC850] =	vst.add.f32.msk $0xffff, v10;
	(pc) =	sbr.rel @p0 .LBB2_3-.Ltmp0, $4  }
0x77: {  	[tilespmem:s25+$0xC860] =	vst.add.f32.msk $0xffff, v11  }
0x78: {  	[tilespmem:s25+$0xC870] =	vst.add.f32.msk $0xffff, v12  }
0x79: {  	[tilespmem:s25+$0x12C40] =	vst.add.f32.msk $0xffff, v13  }
0x7a: {  	s28 =	sadd.s32 $0x200, s28;
	[tilespmem:s25+$0x12C50] =	vst.add.f32.msk $0xffff, v14  }
0x7b: {  	s24 =	sadd.s32 s4, s24;
	s23 =	sadd.s32 $0x1, s23  }
0x7c: {  	s24 =	sshll.u32 s24, $0x3;
	p0 =	sne.s32 s23, $0x20  }
.Ltmp1:
0x7d: {  	[tilespmem:s25+$0x12C60] =	vst.add.f32.msk $0xffff, v0;
	s24 =	sadd.s32 s2, s24;
	(pc) =	sbr.rel @p0 .LBB2_2-.Ltmp1, $4  }
0x7e: {  	[hbm4b:s24+s3] =	stream.linear.scatter [tilespmem:s13], [sflag:$0x2], $0xC800, $0x38;
	[tilespmem:$0x19000] =	vst v63  }
0x7f: {  	_ =	swait.ge [sflag:s9], $0xC800  }
0x80: {  	[sflag:s9] =	ssyncset.done $0x0  }
0x81: {  	[sflag:s9] =	ssyncadd.s32 $0xFFFF3800  }
0x82: {  	s22 =	sadd.s32 $0x1, s22  }
0x83: {  	p0 =	sne.s32 s22, s8  }
.Ltmp2:
0x84: {  	_ = 	snop;
	(pc) =	sbr.rel @p0 .LBB2_1-.Ltmp2, $1  }
0x85: {  	_ =	sdelay $0x3  }
0x86: {  	_ =	sfence.sel $0x180000  }
0x87: {  	[bflag:$0x0] =	sbarrier.arrive $0xFFFF  }
0x88: {  	p0 =	sne.s32 s0, $0x0;
	_ =	strace $0x90000047  }
0x89: {  	s0 =	sadd.s32 @!p0 $0x100000, s1;
	[bflag:$0x2] =	sbarrier.arrive $0xFFFF  }
0x8a: {  	[sflag:s0] =	ssyncadd.tile.s32 @!p0 $0x1;
	_ =	shalt  }
.Lfunc_end2:
_tile_overlayer_lowered:
.L_overlay_start_2:
0x8b: {  	(tag) =	ssettag $0x2  }
0x8c: {  	s0 =	rddreg [dreg:$0x0];
	s2 =	stileid.u32  }
0x8d: {  	s1 =	rddreg [dreg:$0x1];
	p0 =	sne.s32 s2, $0x0  }
0x8e: {  	s3 =	rddreg [dreg:$0x2];
	[bflag:$0x3] =	sbarrier.arrive $0xFFFF;
	s2 =	simm.s32 @!p0 $0x1C02  }
0x8f: {  	[timem:s3], [sflag:s2] =	dma.local @!p0 [hbm:s0], s1  }
0x90: {  	s0 =	simm.s32 @!p0 $0x2  }
0x91: {  	_ =	swait.ge @!p0 [sflag:s0], s1  }
0x92: {  	s1 =	ssub.s32 @!p0 $0x0, s1;
	[sflag:s0] =	ssyncset.done @!p0 $0x0  }
0x93: {  	[sflag:s0] =	ssyncadd.s32 @!p0 s1  }
0x94: {  	[bflag:$0x3] =	sbarrier.arrive $0xFFFF  }
0x95: {  	_ =	shalt  }

// kernel: sparse-core-data-format-call.cloned.1.call-start
scs
called_computation_lowered:
.L_overlay_start_0:
0x0: {  	s2 =	sld [smem:$0x3FD9]  }
0x1: {  	s3 =	sld [smem:$0x3FFE];
	_ =	sdelay $0x1  }
0x2: {  	s1 =	srdreg.scid  }
0x3: {  	s0 =	sand.u32 $0x1, s1  }
0x4: {  	s18 =	sshll.u32 s0, $0xA;
	s2 =	sadd.s32 s3, s2  }
0x5: {  	s2 =	sadd.s32 s2, s18  }
0x6: {  	[smem:$0x3FC5] =	sst s2  }
0x7: {  	_ = 	snop  }
0x8: {  	s2 =	sld [smem:$0x3FD0];
	(tm) =	ssettm $0x1  }
0x9: {  	s19 =	sld [smem:$0x3FFB];
	_ =	sdelay $0x3  }
0xa: {  	_ =	strace s19  }
0xb: {  	s3 =	sld [smem:$0x3FFC];
	_ =	sdelay $0x3  }
0xc: {  	_ =	strace s3  }
0xd: {  	s3 =	sld [smem:$0x3FFD];
	_ =	sdelay $0x3  }
0xe: {  	_ =	strace s3  }
0xf: {  	_ =	strace $0x8FFFFFFF  }
0x10: {  	s20 =	sld [smem:$0x3FDB];
	_ =	sdelay $0x1  }
0x11: {  	s4 =	simm.s32 $_scs_section_size  }
0x12: {  	s5 =	simm.s32 $_size__tile_overlayer_lowered;
	s6 =	simm.s32 $_tile_overlayer_lowered  }
0x13: {  	s23 =	simm.s32 $0x1BFF;
	s22 =	sshll.u32 s6, $0x1;
	s3 =	sadd.s32 s4, s20  }
0x14: {  	s7 =	simm.s32 $0x0;
	s21 =	sshll.u32 s5, $0x1;
	s5 =	sadd.s32 s22, s3  }
0x15: {  	[timem:s7], [sflag:s23] =	dma.local [hbm:s5], s21  }
0x16: {  	_ =	swait.ge [sflag:s23], s21  }
0x17: {  	s4 =	ssub.s32 $0x0, s21;
	[sflag:s23] =	ssyncset.done $0x0  }
0x18: {  	[sflag:s23] =	ssyncadd.s32 s4;
	_ =	sdelay $0x1  }
0x19: {  	s24 =	simm.s32 $0x1B8B  }
0x1a: {  	_ =	swait.ge [sflag:s24], $0x1  }
0x1b: {  	[sflag:s24] =	ssyncset.done $0x0  }
0x1c: {  	s26 =	simm.s32 $0x1B8E;
	s25 =	sld [smem:$0x3FFE];
	[sflag:s24] =	ssyncadd.s32 $0xFFFFFFFF  }
0x1d: {  	s27 =	simm.s32 $execute0_lowered;
	[smem:$0x3FD2] =	sst s26  }
0x1e: {  	s5 =	sshll.u32 s27, $0x1;
	_ =	strace $0x80000049;
	[dreg:$0x1] =	wrdreg $0xFFFFFFFF  }
0x1f: {  	s28 =	simm.s32 $_size_execute0_lowered;
	s3 =	sadd.s32 s3, s5;
	[dreg:$0x0] =	wrdreg $0x0  }
0x20: {  	s5 =	sshll.u32 s28, $0x1;
	[dreg:$0x2] =	wrdreg s3  }
0x21: {  	[dreg:$0x3] =	wrdreg s5  }
0x22: {  	[dreg:$0x4] =	wrdreg $0xC0  }
0x23: {  	_ =	task [dreg:s7], $0x5FFFF  }
0x24: {  	[dreg:$0x1] =	wrdreg $0xFFFFFFFF  }
0x25: {  	[dreg:$0x0] =	wrdreg $0x60  }
0x26: {  	[dreg:$0x2] =	wrdreg s25  }
0x27: {  	[dreg:$0x3] =	wrdreg s2  }
0x28: {  	[dreg:$0x4] =	wrdreg $0x9  }
0x29: {  	_ =	task.clear_ibuf [dreg:s7], $0x5FFFF;
	_ =	strace $0x90000049  }
0x2a: {  	s29 =	simm.s32 $0x9;
	_ =	strace $0x8000004B  }
0x2b: {  	_ =	swait.ge [sflag:s29], $0x1  }
0x2c: {  	[sflag:s29] =	ssyncadd.s32 $0xFFFFFFFF  }
0x2d: {  	_ =	strace $0x9000004B  }
0x2e: {  	_ =	sfence  }
0x2f: {  	s30 =	sld [smem:$0x0];
	_ =	sdelay $0x2  }
0x30: {  	s31 =	sshll.u32 s1, $0xD;
	s1 =	sshrl.u32 s1, $0x2  }
0x31: {  	s3 =	sand.u32 $0x4000, s31;
	s1 =	sadd.s32 s1, s30  }
0x32: {  	s0 =	sor.u32 s3, s0;
	s1 =	sshll.u32 s1, $0x11  }
0x33: {  	s0 =	sor.u32 s1, s0  }
0x34: {  	s0 =	sadd.s32 $0x8F2B, s0  }
0x35: {  	[sflag:s0] =	ssyncadd.remote.s32 $0x1  }
0x36: {  	_ =	sfence.sel $0xFFFF  }
0x37: {  	[dreg:$0x0] =	wrdreg $0xFFFFFFFF;
	(pc) =	sbr.abs _section_cstart, $3  }
0x38: {  	[dreg:$0x1] =	wrdreg $0xFFFFFFFF  }
0x39: {  	_ =	task.clear_ibuf [dreg:s7], $0x2FFFF;
	_ =	strace $0x9FFFFFFF  }
0x3a: {  	(tm) =	ssettm $0x7FFFFFFF  }
0x3b: {  	_ =	shalt  }
tec
execute0_lowered:
.L_overlay_start_1:
0x0: {  	(tag) =	ssettag $0x1  }
0x1: {  	s0 =	srdreg.scid  }
0x2: {  	s1 =	sshll.u32 s0, $0x4  }
0x3: {  	s0 =	stileid.u32;
	s1 =	sand.u32 $0x10, s1  }
0x4: {  	s1 =	sor.u32 s0, s1  }
0x5: {  	s6 =	rddreg [dreg:$0x0];
	s4 =	simm.s32 $0x1;
	s2 =	sshll.u32 s1, $0x7  }
0x6: {  	s7 =	simm.s32 $0x2;
	s12 =	simm.s32 $0x0;
	s1 =	ssub.s32 $0x1000, s2  }
0x7: {  	s8 =	simm.s32 $0x8000;
	s13 =	simm.s32 $0x0;
	s3 =	sand.u32 $0xF80, s1  }
0x8: {  	s9 =	simm.s32 $0x0;
	s5 =	sshrl.u32 s1, $0xC;
	p0 =	sne.s32 s3, $0x0  }
.Ltmp0:
0x9: {  	s1 =	rddreg [dreg:$0x2];
	s4 =	simm.s32 @!p0 $0x0;
	(pc) =	sbr.rel .LBB1_1-.Ltmp0, $4  }
0xa: {  	s11 =	simm.s32 $0x0;
	s3 =	rddreg [dreg:$0x1];
	s5 =	sadd.s32 s4, s5  }
0xb: {  	_ =	strace $0x8000004A;
	s4 =	simm.s32 $0x1;
	s5 =	smul.u32 $0xC8, s5  }
0xc: {  	s6 =	sadd.s32 $0xC00, s6;
	s10 =	smov.u32 s2;
	[sflag:s4] =	ssyncpa.u1 $0x0  }
0xd: {  	p0 =	por $0x0, $0x0;
	[sflag:s7] =	ssyncpa.u1 $0x0;
	s7 =	sor.u32 $0x1, s5  }
.LBB1_4:
0xe: {  	s16 =	sshll.u32 s13, $0x3;
	s17 =	sand.u32 $0x78, s13  }
0xf: {  	s30 =	sand.u32 $0x7E00, s13;
	s12 =	sshll.u32 s12, $0xF;
	s16 =	sand.u32 $0xC00, s16  }
0x10: {  	[tilespmem:s15+$0x810 ss:$0x81] =	vst.msk $0xffff, v2;
	s31 =	sand.u32 $0x7, s13;
	s16 =	sor.u32 s17, s16;
	s17 =	sadd.s32 s3, s30  }
0x11: {  	[tilespmem:s15+$0x1020 ss:$0x81] =	vst.msk $0xffff, v0;
	s13 =	sshll.u32 s31, $0x12;
	s12 =	sadd.s32 s12, s17;
	s16 =	sshrl.u32 s16, $0x3  }
0x12: {  	[tilespmem:s15+$0x0 ss:$0x81] =	vst.msk $0xffff, v1;
	s13 =	sor.u32 $0x400, s13;
	s12 =	sadd.s32 s16, s12  }
0x13: {  	[hbm4b:s12+s13] =	stream.strided.scatter [tilespmem:s14], [sflag:$0x2], $0x2000, s8, s13, $0x20;
	[tilespmem:$0x8080] =	vst v63  }
.LBB1_5:
0x14: {  	s14 =	sadd.s32 $0x1, s9  }
0x15: {  	s12 =	sadd.s32 $0x1000, s10;
	s16 =	smov.u32 s10;
	p2 =	sgt.s32 s14, $0xC7  }
0x16: {  	s16 =	smov.u32 @p2 s12  }
0x17: {  	s14 =	simm.s32 @p2 $0x0;
	p2 =	sgt.s32 s16, $0xFFF  }
0x18: {  	s16 =	smov.u32 @p2 s2;
	p2 =	sne.s32 s11, s7  }
.Ltmp1:
0x19: {  	p1 =	slt.u32 s11, $0x2;
	(pc) =	sbr.rel @!p2 .LBB1_6-.Ltmp1, $4  }
0x1a: {  	s15 =	simm.s32 @!p1 $0x2  }
0x1b: {  	s13 =	smov.u32 s10;
	p0 =	por !p0, !p0;
	_ =	swait.ge @!p1 [sflag:s15], $0x2000  }
0x1c: {  	s12 =	smov.u32 s9;
	[sflag:s15] =	ssyncset.done @!p1 $0x0;
	s9 =	smov.u32 s14  }
0x1d: {  	s11 =	sadd.s32 $0x1, s11;
	[sflag:s15] =	ssyncadd.s32 @!p1 $0xFFFFE000;
	s10 =	smov.u32 s16  }
.LBB1_1:
0x1e: {  	p1 =	sge.u32 s11, s5  }
0x1f: {  	s14 =	sand.u32 @!p1 $0x1FFFFFF, s9  }
0x20: {  	s15 =	smulhi.u32 @!p1 $0x147AE15, s14;
	_ =	sdelay $0x1  }
0x21: {  	s15 =	smul.u32 @!p1 $0xC8, s15  }
0x22: {  	s16 =	sxor.u32 @!p1 $0xFFFFFFFF, s11;
	s17 =	smul.u32 @!p1 $0xC80, s10  }
0x23: {  	s31 =	sadd.s32 $0xFFFFFFFF, s11;
	s16 =	sshll.u32 @!p1 s16, $0xD;
	s14 =	ssub.s32 @!p1 s14, s15  }
0x24: {  	s15 =	sand.u32 @!p1 $0x2000, s16;
	s16 =	sadd.s32 @!p1 s6, s17;
	s14 =	sshll.u32 @!p1 s14, $0x4  }
0x25: {  	s17 =	simm.s32 @!p1 $0x6400;
	s14 =	sadd.s32 @!p1 s14, s16;
	s16 =	simm.s32 @!p1 $0x40  }
0x26: {  	[tilespmem:s15], [sflag:$0x1] =	stream.strided.gather @!p1 [hbm4b:s14+s16], $0x2000, s17, s16, $0x38;
	[tilespmem:$0x8080] =	vst v63  }
0x27: {  	p1 =	sge.u32 s31, s5  }
.Ltmp2:
0x28: {  	_ = 	snop;
	(pc) =	sbr.rel @p1 .LBB1_5-.Ltmp2, $1  }
0x29: {  	_ =	sdelay $0x3  }
0x2a: {  	s14 =	simm.s32 $0x1  }
0x2b: {  	_ =	swait.ge [sflag:s4], $0x2000;
	s14 =	simm.s32 @!p0 $0x0  }
0x2c: {  	[sflag:s4] =	ssyncset.done $0x0;
	s15 =	sshll.u32 s14, $0xD  }
0x2d: {  	[sflag:s4] =	ssyncadd.s32 $0xFFFFE000;
	s18 =	sor.u32 $0x20, s15  }
0x2e: {  	s14 =	smul.u32 $0x8100, s14;
	v3 =	vld [tilespmem:s18+$0x10]  }
0x2f: {  	s30 =	sand.u32 $0x1, s11;
	v2 =	vld [tilespmem:s18+$0xFFFFFFF0]  }
0x30: {  	s15 =	smul.u32 $0x8100, s30;
	s14 =	sshrl.u32 s14, $0x2;
	v0 =	vld [tilespmem:s18+$0x0]  }
0x31: {  	v1 =	vld [tilespmem:s18+$0xFFFFFFE0];
	s16 =	sor.u32 $0x4000, s14  }
0x32: {  	s31 =	sshrl.u32 s15, $0x2;
	s15 =	sadd.s32 $0x0, s16  }
0x33: {  	s17 =	simm.s32 $0x4;
	s18 =	sadd.s32 $0x40, s18;
	s14 =	sor.u32 $0x4000, s31;
	[tilespmem:s15+$0x1830 ss:$0x81] =	vst.msk $0xffff, v3  }
.LBB1_3:
0x34: {  	v3 =	vld [tilespmem:s18+$0x10];
	p1 =	sne.s32 s17, $0x1FC;
	[tilespmem:s15+$0x810 ss:$0x81] =	vst.msk $0xffff, v2;
	s19 =	smov.u32 s17;
	s17 =	sadd.s32 $0x4, s17  }
.Ltmp3:
0x35: {  	v2 =	vld [tilespmem:s18+$0xFFFFFFF0];
	[tilespmem:s15+$0x1020 ss:$0x81] =	vst.msk $0xffff, v0;
	(pc) =	sbr.rel @p1 .LBB1_3-.Ltmp3, $4  }
0x36: {  	v0 =	vld [tilespmem:s18+$0x0];
	[tilespmem:s15+$0x0 ss:$0x81] =	vst.msk $0xffff, v1  }
0x37: {  	s15 =	sshra.s32 s19, $0x2;
	v1 =	vld [tilespmem:s18+$0xFFFFFFE0]  }
0x38: {  	s15 =	sadd.s32 s15, s16  }
0x39: {  	s18 =	sadd.s32 $0x40, s18;
	[tilespmem:s15+$0x1830 ss:$0x81] =	vst.msk $0xffff, v3  }
.Ltmp4:
0x3a: {  	_ = 	snop;
	(pc) =	sbr.rel .LBB1_4-.Ltmp4, $1  }
0x3b: {  	_ =	sdelay $0x3  }
.LBB1_6:
0x3c: {  	_ =	sfence.sel $0x180000  }
0x3d: {  	s2 =	simm.s32 $0x1;
	[bflag:$0x0] =	sbarrier.arrive $0xFFFF  }
0x3e: {  	s31 =	simm.s32 $0x2;
	[sflag:s2] =	ssyncpa.u1 $0x1  }
0x3f: {  	[sflag:s31] =	ssyncpa.u1 $0x1  }
0x40: {  	p0 =	sne.s32 s0, $0x0;
	_ =	strace $0x9000004A  }
0x41: {  	s0 =	sadd.s32 @!p0 $0x100000, s1;
	[bflag:$0x2] =	sbarrier.arrive $0xFFFF  }
0x42: {  	[sflag:s0] =	ssyncadd.tile.s32 @!p0 $0x1;
	_ =	shalt  }
.Lfunc_end1:
_tile_overlayer_lowered:
.L_overlay_start_2:
0x43: {  	(tag) =	ssettag $0x2  }
0x44: {  	s0 =	rddreg [dreg:$0x0];
	s2 =	stileid.u32  }
0x45: {  	s1 =	rddreg [dreg:$0x1];
	p0 =	sne.s32 s2, $0x0  }
0x46: {  	s3 =	rddreg [dreg:$0x2];
	[bflag:$0x3] =	sbarrier.arrive $0xFFFF;
	s2 =	simm.s32 @!p0 $0x1C01  }
0x47: {  	[timem:s3], [sflag:s2] =	dma.local @!p0 [hbm:s0], s1  }
0x48: {  	s0 =	simm.s32 @!p0 $0x1  }
0x49: {  	_ =	swait.ge @!p0 [sflag:s0], s1  }
0x4a: {  	s1 =	ssub.s32 @!p0 $0x0, s1;
	[sflag:s0] =	ssyncset.done @!p0 $0x0  }
0x4b: {  	[sflag:s0] =	ssyncadd.s32 @!p0 s1  }
0x4c: {  	[bflag:$0x3] =	sbarrier.arrive $0xFFFF  }
0x4d: {  	_ =	shalt  }

</sc_bundles>
